<compile_context>
chip_gen: v7x
topology: tpu7x:2x2x1
jax: 0.10.2.dev20260603
libtpu: 0.0.44.dev20260713+nightly
codegen_flags: <defaults>
</compile_context>

<pallas_src>
import functools

import jax
import jax.numpy as jnp
from jax import lax
from jax.experimental import pallas as pl
from jax.experimental.pallas import tpu as pltpu
from jax.experimental.pallas import tpu_sc as plsc

N_TOTAL = 16_777_216
K_COUNT = 1_677_721
NBINS = 65536
NW = 32
PER_W = N_TOTAL // NW
CHUNK = 4096
NCHUNK = PER_W // CHUNK
VECS = CHUNK // 16
UNROLL = 32
BUFS = 4
NROWS = N_TOTAL // 128
CROWS = CHUNK // 128
ROWS_PER_W = PER_W // 128

_mesh = plsc.VectorSubcoreMesh(core_axis_name="c", subcore_axis_name="s")


@functools.partial(
    pl.kernel,
    mesh=_mesh,
    out_type=jax.ShapeDtypeStruct((NW, NBINS // 128, 128), jnp.int32),
    scratch_types=[
        pltpu.VMEM((BUFS, CROWS, 128), jnp.float32),
        pltpu.VMEM((BUFS, CROWS, 128), jnp.float32),
        pltpu.VMEM((NBINS // 128, 128), jnp.int32),
        pltpu.SemaphoreType.DMA,
        pltpu.SemaphoreType.DMA,
        pltpu.SemaphoreType.DMA,
        pltpu.SemaphoreType.DMA,
    ],
    compiler_params=pltpu.CompilerParams(needs_layout_passes=False),
)
def _hist_sc(p_hbm, t_hbm, out_hbm, pbuf, tbuf, hist, sem0, sem1, sem2, sem3):
    wid = lax.axis_index("s") * 2 + lax.axis_index("c")
    rbase = wid * ROWS_PER_W
    sems = (sem0, sem1, sem2, sem3)

    zero16 = jnp.zeros((16,), jnp.int32)

    @plsc.parallel_loop(0, NBINS // 16, unroll=UNROLL)
    def _zero(i):
        hist[lax.shift_right_logical(i, 3), pl.ds((i & 7) * 16, 16)] = zero16

    ones16 = jnp.ones((16,), jnp.int32)

    for b in range(BUFS):
        roff = rbase + b * CROWS
        pltpu.async_copy(p_hbm.at[pl.ds(roff, CROWS)], pbuf.at[b], sems[b])
        pltpu.async_copy(t_hbm.at[pl.ds(roff, CROWS)], tbuf.at[b], sems[b])

    def cbody(g, carry):
        for b in range(BUFS):
            c = g * BUFS + b
            roff = rbase + c * CROWS
            pltpu.make_async_copy(
                p_hbm.at[pl.ds(roff, CROWS)], pbuf.at[b], sems[b]).wait()
            pltpu.make_async_copy(
                t_hbm.at[pl.ds(roff, CROWS)], tbuf.at[b], sems[b]).wait()

            @plsc.parallel_loop(0, VECS, unroll=UNROLL)
            def _inner(i):
                r = lax.shift_right_logical(i, 3)
                s = (i & 7) * 16
                d = pbuf[b, r, pl.ds(s, 16)] - tbuf[b, r, pl.ds(s, 16)]
                v = d * d
                bits = lax.bitcast_convert_type(v, jnp.int32)
                idx = lax.shift_right_logical(bits, 16)
                row = lax.shift_right_logical(idx, 7)
                col = idx & 127
                plsc.addupdate_scatter(hist, [row, col], ones16)

            @pl.when(c + BUFS < NCHUNK)
            def _prefetch():
                roff2 = roff + BUFS * CROWS
                pltpu.async_copy(
                    p_hbm.at[pl.ds(roff2, CROWS)], pbuf.at[b], sems[b])
                pltpu.async_copy(
                    t_hbm.at[pl.ds(roff2, CROWS)], tbuf.at[b], sems[b])
        return carry

    lax.fori_loop(0, NCHUNK // BUFS, cbody, 0)
    pltpu.sync_copy(hist, out_hbm.at[wid])


def _select_body(hist_hbm, out_ref, hist_ref, sem):
    cp = pltpu.make_async_copy(hist_hbm, hist_ref, sem)
    cp.start()
    cp.wait()
    acc = hist_ref[0]
    for w in range(1, NW):
        acc = acc + hist_ref[w]
    cnt = acc.astype(jnp.float32)

    m_i = lax.broadcasted_iota(jnp.int32, (128, 128), 0)
    l_i = lax.broadcasted_iota(jnp.int32, (128, 128), 1)
    upper = (m_i >= l_i).astype(jnp.float32)
    w_suf = jnp.dot(cnt, upper, preferred_element_type=jnp.float32)

    r_i = lax.broadcasted_iota(jnp.int32, (512, 512), 0)
    r_j = lax.broadcasted_iota(jnp.int32, (512, 512), 1)
    strict = (r_j > r_i).astype(jnp.float32)
    s_rs = jnp.dot(strict, w_suf, preferred_element_type=jnp.float32)[:, 0:1]

    suf = w_suf + s_rs

    row = lax.broadcasted_iota(jnp.int32, (512, 128), 0)
    col = lax.broadcasted_iota(jnp.int32, (512, 128), 1)
    h = row * 128 + col

    kf = jnp.float32(K_COUNT)
    b = jnp.max(jnp.where(suf >= kf, h, -1))

    cnt_b = jnp.sum(jnp.where(h == b, cnt, 0.0))
    s_b = jnp.sum(jnp.where(h == b, suf, 0.0))
    n_gt = s_b - cnt_b
    kp = jnp.clip(kf - n_gt, 0.0, cnt_b)

    midbits = (h << 16) + 0x8000
    mids = lax.bitcast_convert_type(midbits, jnp.float32)
    contrib = jnp.where((h > b) & (acc > 0), cnt * mids, 0.0)
    mid_b = jnp.sum(jnp.where(h == b, mids, 0.0))
    total = jnp.sum(contrib) + kp * mid_b
    out_ref[...] = (total / kf).reshape(1, 1)


_select_tc = pl.pallas_call(
    _select_body,
    in_specs=[pl.BlockSpec(memory_space=pltpu.HBM)],
    out_shape=jax.ShapeDtypeStruct((1, 1), jnp.float32),
    scratch_shapes=[
        pltpu.VMEM((NW, 512, 128), jnp.int32),
        pltpu.SemaphoreType.DMA,
    ],
)


def kernel(predictions, targets):
    p = predictions.reshape(NROWS, 128)
    t = targets.reshape(NROWS, 128)
    hist = _hist_sc(p, t)
    out = _select_tc(hist)
    return out[0, 0]

# --- scband reference (transcript-rebuilt; emitter-appended) ---
"""Pipeline reference for scband-top-kwrapper-80882824118614 (READ-ONLY COPY).

The authoritative reference and input builder live on the scoring server;
editing this copy changes nothing except your own understanding.
"""

import jax, jax.numpy as jnp
import numpy as np

K_PCT = 10
WEIGHT = 1.0
SUM_DIM1 = False

def setup_inputs(seed: int = 0) -> dict:
    key = jax.random.key(seed)
    k1, k2 = jax.random.split(key)
    shape = (4, 2, 128, 128, 128)
    predictions = jax.random.normal(k1, shape, dtype=jnp.float32)
    targets = jax.random.uniform(k2, shape, dtype=jnp.float32)
    return {"predictions": predictions, "targets": targets}

def reference(predictions, targets):
    # base_loss = MSELoss(reduction='none') -> elementwise squared error
    res = (predictions - targets) ** 2
    if SUM_DIM1:
        res = res.mean(axis=1)
    num_voxels = int(np.prod(res.shape))
    k_count = int(num_voxels * K_PCT / 100)
    vals, _ = jax.lax.top_k(res.reshape(-1), k_count)
    return vals.mean() * WEIGHT

if __name__ == "__main__":
    import jax
    _d = setup_inputs()
    print(jax.jit(kernel)(*tuple(_d.values())))

</pallas_src>

<mosaic_0001>
#map = affine_map<(d0, d1) -> (0, 0)>
#map1 = affine_map<(d0, d1) -> (0, 0, 0)>
module attributes {stable_mosaic.version = 14 : i64} {
  func.func @_hist_sc(%arg0: i32, %arg1: i32, %arg2: memref<131072x128xf32, #tpu.memory_space<hbm>>, %arg3: memref<131072x128xf32, #tpu.memory_space<hbm>>, %arg4: memref<32x512x128xi32, #tpu.memory_space<hbm>>, %arg5: memref<4x32x128xf32, #tpu.memory_space<vmem>>, %arg6: memref<4x32x128xf32, #tpu.memory_space<vmem>>, %arg7: memref<512x128xi32, #tpu.memory_space<vmem>>, %arg8: memref<!tpu.dma_semaphore, #tpu.memory_space<semaphore_mem>>, %arg9: memref<!tpu.dma_semaphore, #tpu.memory_space<semaphore_mem>>, %arg10: memref<!tpu.dma_semaphore, #tpu.memory_space<semaphore_mem>>, %arg11: memref<!tpu.dma_semaphore, #tpu.memory_space<semaphore_mem>>) attributes {dimension_semantics = [#tpu.dimension_semantics<core_parallel>, #tpu.dimension_semantics<subcore_parallel>], iteration_bounds = array<i64: 2, 16>, scalar_prefetch = 0 : i64, scratch_operands = 7 : i64, tpu.core_type = #tpu.core_type<sc_vector_subcore>, window_params = [{transform_indices = #map}, {transform_indices = #map}, {transform_indices = #map1}]} {
    %mul3A = arith.constant 2 : i32
    %mul3A_0 = arith.muli %arg1, %mul3A : i32
    %add3A = arith.addi %mul3A_0, %arg0 : i32
    %mul3A_1 = arith.constant 4096 : i32
    %mul3A_2 = arith.muli %add3A, %mul3A_1 : i32
    %broadcast_in_dim3A = arith.constant 0 : i32
    %broadcast_in_dim3A_3 = vector.broadcast %broadcast_in_dim3A : i32 to vector<16xi32>
    %parallel_loop3A = arith.constant 0 : i32
    %parallel_loop3A_4 = arith.constant 4096 : i32
    %parallel_loop3A_5 = arith.constant 1 : i32
    scf.for %parallel_loop3A_124 = %parallel_loop3A to %parallel_loop3A_4 step %parallel_loop3A_5  : i32 {
      %parallel_loop3A_125 = arith.constant 3 : i32
      %parallel_loop3A_126 = arith.shrui %parallel_loop3A_124, %parallel_loop3A_125 : i32
      %parallel_loop3A_127 = arith.constant 7 : i32
      %parallel_loop3A_128 = arith.andi %parallel_loop3A_124, %parallel_loop3A_127 : i32
      %parallel_loop3A_129 = arith.constant 16 : i32
      %parallel_loop3A_130 = arith.muli %parallel_loop3A_128, %parallel_loop3A_129 : i32
      %parallel_loop3A_131 = arith.index_cast %parallel_loop3A_126 : i32 to index
      %parallel_loop3A_132 = arith.index_cast %parallel_loop3A_130 : i32 to index
      %parallel_loop3A_133 = tpu.vector_load %arg7[%parallel_loop3A_131, %parallel_loop3A_132] {strides = array<i32>} : memref<512x128xi32, #tpu.memory_space<vmem>>, vector<16xi32>,
      tpu.vector_store %arg7[%parallel_loop3A_131, %parallel_loop3A_132], %broadcast_in_dim3A_3 {strides = array<i32>} : memref<512x128xi32, #tpu.memory_space<vmem>>, vector<16xi32>,
    } {sc.loop_unroll_factor = 32 : i64, sc.parallel_access}
    %broadcast_in_dim3A_6 = arith.constant 1 : i32
    %broadcast_in_dim3A_7 = vector.broadcast %broadcast_in_dim3A_6 : i32 to vector<16xi32>
    %add3A_8 = arith.constant 0 : i32
    %add3A_9 = arith.addi %mul3A_2, %add3A_8 : i32
    %dma_start3A = arith.constant 0 : i32
    %dma_start3A_10 = arith.constant 0 : i32
    %dma_start3A_11 = arith.constant 0 : i32
    %dma_start3A_12 = tpu.memref_slice %arg5[%dma_start3A, %dma_start3A_10, %dma_start3A_11] : memref<4x32x128xf32, #tpu.memory_space<vmem>> -> memref<1x32x128xf32, #tpu.memory_space<vmem>>
    %dma_start3A_13 = tpu.memref_squeeze %dma_start3A_12 : memref<1x32x128xf32, #tpu.memory_space<vmem>> -> memref<32x128xf32, #tpu.memory_space<vmem>>
    %dma_start3A_14 = arith.constant 0 : i32
    %dma_start3A_15 = tpu.memref_slice %arg2[%add3A_9, %dma_start3A_14] : memref<131072x128xf32, #tpu.memory_space<hbm>> -> memref<32x128xf32, #tpu.memory_space<hbm>>
    %dma_start3A_16 = arith.constant 0 : i32
    %dma_start3A_17 = arith.constant 0 : i32
    %dma_start3A_18 = tpu.memref_slice %arg5[%dma_start3A, %dma_start3A_16, %dma_start3A_17] : memref<4x32x128xf32, #tpu.memory_space<vmem>> -> memref<1x32x128xf32, #tpu.memory_space<vmem>>
    %dma_start3A_19 = tpu.memref_squeeze %dma_start3A_18 : memref<1x32x128xf32, #tpu.memory_space<vmem>> -> memref<32x128xf32, #tpu.memory_space<vmem>>
    %dma_start3A_20 = arith.constant 0 : i32
    %dma_start3A_21 = tpu.memref_slice %arg2[%add3A_9, %dma_start3A_20] : memref<131072x128xf32, #tpu.memory_space<hbm>> -> memref<32x128xf32, #tpu.memory_space<hbm>>
    tpu.enqueue_dma source(%dma_start3A_21 : memref<32x128xf32, #tpu.memory_space<hbm>>) target(%dma_start3A_19 : memref<32x128xf32, #tpu.memory_space<vmem>>) target_semaphore(%arg8 : memref<!tpu.dma_semaphore, #tpu.memory_space<semaphore_mem>>)
    %dma_start3A_22 = arith.constant 0 : i32
    %dma_start3A_23 = arith.constant 0 : i32
    %dma_start3A_24 = arith.constant 0 : i32
    %dma_start3A_25 = tpu.memref_slice %arg6[%dma_start3A_22, %dma_start3A_23, %dma_start3A_24] : memref<4x32x128xf32, #tpu.memory_space<vmem>> -> memref<1x32x128xf32, #tpu.memory_space<vmem>>
    %dma_start3A_26 = tpu.memref_squeeze %dma_start3A_25 : memref<1x32x128xf32, #tpu.memory_space<vmem>> -> memref<32x128xf32, #tpu.memory_space<vmem>>
    %dma_start3A_27 = arith.constant 0 : i32
    %dma_start3A_28 = tpu.memref_slice %arg3[%add3A_9, %dma_start3A_27] : memref<131072x128xf32, #tpu.memory_space<hbm>> -> memref<32x128xf32, #tpu.memory_space<hbm>>
    %dma_start3A_29 = arith.constant 0 : i32
    %dma_start3A_30 = arith.constant 0 : i32
    %dma_start3A_31 = tpu.memref_slice %arg6[%dma_start3A_22, %dma_start3A_29, %dma_start3A_30] : memref<4x32x128xf32, #tpu.memory_space<vmem>> -> memref<1x32x128xf32, #tpu.memory_space<vmem>>
    %dma_start3A_32 = tpu.memref_squeeze %dma_start3A_31 : memref<1x32x128xf32, #tpu.memory_space<vmem>> -> memref<32x128xf32, #tpu.memory_space<vmem>>
    %dma_start3A_33 = arith.constant 0 : i32
    %dma_start3A_34 = tpu.memref_slice %arg3[%add3A_9, %dma_start3A_33] : memref<131072x128xf32, #tpu.memory_space<hbm>> -> memref<32x128xf32, #tpu.memory_space<hbm>>
    tpu.enqueue_dma source(%dma_start3A_34 : memref<32x128xf32, #tpu.memory_space<hbm>>) target(%dma_start3A_32 : memref<32x128xf32, #tpu.memory_space<vmem>>) target_semaphore(%arg8 : memref<!tpu.dma_semaphore, #tpu.memory_space<semaphore_mem>>)
    %add3A_35 = arith.constant 32 : i32
    %add3A_36 = arith.addi %mul3A_2, %add3A_35 : i32
    %dma_start3A_37 = arith.constant 1 : i32
    %dma_start3A_38 = arith.constant 0 : i32
    %dma_start3A_39 = arith.constant 0 : i32
    %dma_start3A_40 = tpu.memref_slice %arg5[%dma_start3A_37, %dma_start3A_38, %dma_start3A_39] : memref<4x32x128xf32, #tpu.memory_space<vmem>> -> memref<1x32x128xf32, #tpu.memory_space<vmem>>
    %dma_start3A_41 = tpu.memref_squeeze %dma_start3A_40 : memref<1x32x128xf32, #tpu.memory_space<vmem>> -> memref<32x128xf32, #tpu.memory_space<vmem>>
    %dma_start3A_42 = arith.constant 0 : i32
    %dma_start3A_43 = tpu.memref_slice %arg2[%add3A_36, %dma_start3A_42] : memref<131072x128xf32, #tpu.memory_space<hbm>> -> memref<32x128xf32, #tpu.memory_space<hbm>>
    %dma_start3A_44 = arith.constant 0 : i32
    %dma_start3A_45 = arith.constant 0 : i32
    %dma_start3A_46 = tpu.memref_slice %arg5[%dma_start3A_37, %dma_start3A_44, %dma_start3A_45] : memref<4x32x128xf32, #tpu.memory_space<vmem>> -> memref<1x32x128xf32, #tpu.memory_space<vmem>>
    %dma_start3A_47 = tpu.memref_squeeze %dma_start3A_46 : memref<1x32x128xf32, #tpu.memory_space<vmem>> -> memref<32x128xf32, #tpu.memory_space<vmem>>
    %dma_start3A_48 = arith.constant 0 : i32
    %dma_start3A_49 = tpu.memref_slice %arg2[%add3A_36, %dma_start3A_48] : memref<131072x128xf32, #tpu.memory_space<hbm>> -> memref<32x128xf32, #tpu.memory_space<hbm>>
    tpu.enqueue_dma source(%dma_start3A_49 : memref<32x128xf32, #tpu.memory_space<hbm>>) target(%dma_start3A_47 : memref<32x128xf32, #tpu.memory_space<vmem>>) target_semaphore(%arg9 : memref<!tpu.dma_semaphore, #tpu.memory_space<semaphore_mem>>)
    %dma_start3A_50 = arith.constant 1 : i32
    %dma_start3A_51 = arith.constant 0 : i32
    %dma_start3A_52 = arith.constant 0 : i32
    %dma_start3A_53 = tpu.memref_slice %arg6[%dma_start3A_50, %dma_start3A_51, %dma_start3A_52] : memref<4x32x128xf32, #tpu.memory_space<vmem>> -> memref<1x32x128xf32, #tpu.memory_space<vmem>>
    %dma_start3A_54 = tpu.memref_squeeze %dma_start3A_53 : memref<1x32x128xf32, #tpu.memory_space<vmem>> -> memref<32x128xf32, #tpu.memory_space<vmem>>
    %dma_start3A_55 = arith.constant 0 : i32
    %dma_start3A_56 = tpu.memref_slice %arg3[%add3A_36, %dma_start3A_55] : memref<131072x128xf32, #tpu.memory_space<hbm>> -> memref<32x128xf32, #tpu.memory_space<hbm>>
    %dma_start3A_57 = arith.constant 0 : i32
    %dma_start3A_58 = arith.constant 0 : i32
    %dma_start3A_59 = tpu.memref_slice %arg6[%dma_start3A_50, %dma_start3A_57, %dma_start3A_58] : memref<4x32x128xf32, #tpu.memory_space<vmem>> -> memref<1x32x128xf32, #tpu.memory_space<vmem>>
    %dma_start3A_60 = tpu.memref_squeeze %dma_start3A_59 : memref<1x32x128xf32, #tpu.memory_space<vmem>> -> memref<32x128xf32, #tpu.memory_space<vmem>>
    %dma_start3A_61 = arith.constant 0 : i32
    %dma_start3A_62 = tpu.memref_slice %arg3[%add3A_36, %dma_start3A_61] : memref<131072x128xf32, #tpu.memory_space<hbm>> -> memref<32x128xf32, #tpu.memory_space<hbm>>
    tpu.enqueue_dma source(%dma_start3A_62 : memref<32x128xf32, #tpu.memory_space<hbm>>) target(%dma_start3A_60 : memref<32x128xf32, #tpu.memory_space<vmem>>) target_semaphore(%arg9 : memref<!tpu.dma_semaphore, #tpu.memory_space<semaphore_mem>>)
    %add3A_63 = arith.constant 64 : i32
    %add3A_64 = arith.addi %mul3A_2, %add3A_63 : i32
    %dma_start3A_65 = arith.constant 2 : i32
    %dma_start3A_66 = arith.constant 0 : i32
    %dma_start3A_67 = arith.constant 0 : i32
    %dma_start3A_68 = tpu.memref_slice %arg5[%dma_start3A_65, %dma_start3A_66, %dma_start3A_67] : memref<4x32x128xf32, #tpu.memory_space<vmem>> -> memref<1x32x128xf32, #tpu.memory_space<vmem>>
    %dma_start3A_69 = tpu.memref_squeeze %dma_start3A_68 : memref<1x32x128xf32, #tpu.memory_space<vmem>> -> memref<32x128xf32, #tpu.memory_space<vmem>>
    %dma_start3A_70 = arith.constant 0 : i32
    %dma_start3A_71 = tpu.memref_slice %arg2[%add3A_64, %dma_start3A_70] : memref<131072x128xf32, #tpu.memory_space<hbm>> -> memref<32x128xf32, #tpu.memory_space<hbm>>
    %dma_start3A_72 = arith.constant 0 : i32
    %dma_start3A_73 = arith.constant 0 : i32
    %dma_start3A_74 = tpu.memref_slice %arg5[%dma_start3A_65, %dma_start3A_72, %dma_start3A_73] : memref<4x32x128xf32, #tpu.memory_space<vmem>> -> memref<1x32x128xf32, #tpu.memory_space<vmem>>
    %dma_start3A_75 = tpu.memref_squeeze %dma_start3A_74 : memref<1x32x128xf32, #tpu.memory_space<vmem>> -> memref<32x128xf32, #tpu.memory_space<vmem>>
    %dma_start3A_76 = arith.constant 0 : i32
    %dma_start3A_77 = tpu.memref_slice %arg2[%add3A_64, %dma_start3A_76] : memref<131072x128xf32, #tpu.memory_space<hbm>> -> memref<32x128xf32, #tpu.memory_space<hbm>>
    tpu.enqueue_dma source(%dma_start3A_77 : memref<32x128xf32, #tpu.memory_space<hbm>>) target(%dma_start3A_75 : memref<32x128xf32, #tpu.memory_space<vmem>>) target_semaphore(%arg10 : memref<!tpu.dma_semaphore, #tpu.memory_space<semaphore_mem>>)
    %dma_start3A_78 = arith.constant 2 : i32
    %dma_start3A_79 = arith.constant 0 : i32
    %dma_start3A_80 = arith.constant 0 : i32
    %dma_start3A_81 = tpu.memref_slice %arg6[%dma_start3A_78, %dma_start3A_79, %dma_start3A_80] : memref<4x32x128xf32, #tpu.memory_space<vmem>> -> memref<1x32x128xf32, #tpu.memory_space<vmem>>
    %dma_start3A_82 = tpu.memref_squeeze %dma_start3A_81 : memref<1x32x128xf32, #tpu.memory_space<vmem>> -> memref<32x128xf32, #tpu.memory_space<vmem>>
    %dma_start3A_83 = arith.constant 0 : i32
    %dma_start3A_84 = tpu.memref_slice %arg3[%add3A_64, %dma_start3A_83] : memref<131072x128xf32, #tpu.memory_space<hbm>> -> memref<32x128xf32, #tpu.memory_space<hbm>>
    %dma_start3A_85 = arith.constant 0 : i32
    %dma_start3A_86 = arith.constant 0 : i32
    %dma_start3A_87 = tpu.memref_slice %arg6[%dma_start3A_78, %dma_start3A_85, %dma_start3A_86] : memref<4x32x128xf32, #tpu.memory_space<vmem>> -> memref<1x32x128xf32, #tpu.memory_space<vmem>>
    %dma_start3A_88 = tpu.memref_squeeze %dma_start3A_87 : memref<1x32x128xf32, #tpu.memory_space<vmem>> -> memref<32x128xf32, #tpu.memory_space<vmem>>
    %dma_start3A_89 = arith.constant 0 : i32
    %dma_start3A_90 = tpu.memref_slice %arg3[%add3A_64, %dma_start3A_89] : memref<131072x128xf32, #tpu.memory_space<hbm>> -> memref<32x128xf32, #tpu.memory_space<hbm>>
    tpu.enqueue_dma source(%dma_start3A_90 : memref<32x128xf32, #tpu.memory_space<hbm>>) target(%dma_start3A_88 : memref<32x128xf32, #tpu.memory_space<vmem>>) target_semaphore(%arg10 : memref<!tpu.dma_semaphore, #tpu.memory_space<semaphore_mem>>)
    %add3A_91 = arith.constant 96 : i32
    %add3A_92 = arith.addi %mul3A_2, %add3A_91 : i32
    %dma_start3A_93 = arith.constant 3 : i32
    %dma_start3A_94 = arith.constant 0 : i32
    %dma_start3A_95 = arith.constant 0 : i32
    %dma_start3A_96 = tpu.memref_slice %arg5[%dma_start3A_93, %dma_start3A_94, %dma_start3A_95] : memref<4x32x128xf32, #tpu.memory_space<vmem>> -> memref<1x32x128xf32, #tpu.memory_space<vmem>>
    %dma_start3A_97 = tpu.memref_squeeze %dma_start3A_96 : memref<1x32x128xf32, #tpu.memory_space<vmem>> -> memref<32x128xf32, #tpu.memory_space<vmem>>
    %dma_start3A_98 = arith.constant 0 : i32
    %dma_start3A_99 = tpu.memref_slice %arg2[%add3A_92, %dma_start3A_98] : memref<131072x128xf32, #tpu.memory_space<hbm>> -> memref<32x128xf32, #tpu.memory_space<hbm>>
    %dma_start3A_100 = arith.constant 0 : i32
    %dma_start3A_101 = arith.constant 0 : i32
    %dma_start3A_102 = tpu.memref_slice %arg5[%dma_start3A_93, %dma_start3A_100, %dma_start3A_101] : memref<4x32x128xf32, #tpu.memory_space<vmem>> -> memref<1x32x128xf32, #tpu.memory_space<vmem>>
    %dma_start3A_103 = tpu.memref_squeeze %dma_start3A_102 : memref<1x32x128xf32, #tpu.memory_space<vmem>> -> memref<32x128xf32, #tpu.memory_space<vmem>>
    %dma_start3A_104 = arith.constant 0 : i32
    %dma_start3A_105 = tpu.memref_slice %arg2[%add3A_92, %dma_start3A_104] : memref<131072x128xf32, #tpu.memory_space<hbm>> -> memref<32x128xf32, #tpu.memory_space<hbm>>
    tpu.enqueue_dma source(%dma_start3A_105 : memref<32x128xf32, #tpu.memory_space<hbm>>) target(%dma_start3A_103 : memref<32x128xf32, #tpu.memory_space<vmem>>) target_semaphore(%arg11 : memref<!tpu.dma_semaphore, #tpu.memory_space<semaphore_mem>>)
    %dma_start3A_106 = arith.constant 3 : i32
    %dma_start3A_107 = arith.constant 0 : i32
    %dma_start3A_108 = arith.constant 0 : i32
    %dma_start3A_109 = tpu.memref_slice %arg6[%dma_start3A_106, %dma_start3A_107, %dma_start3A_108] : memref<4x32x128xf32, #tpu.memory_space<vmem>> -> memref<1x32x128xf32, #tpu.memory_space<vmem>>
    %dma_start3A_110 = tpu.memref_squeeze %dma_start3A_109 : memref<1x32x128xf32, #tpu.memory_space<vmem>> -> memref<32x128xf32, #tpu.memory_space<vmem>>
    %dma_start3A_111 = arith.constant 0 : i32
    %dma_start3A_112 = tpu.memref_slice %arg3[%add3A_92, %dma_start3A_111] : memref<131072x128xf32, #tpu.memory_space<hbm>> -> memref<32x128xf32, #tpu.memory_space<hbm>>
    %dma_start3A_113 = arith.constant 0 : i32
    %dma_start3A_114 = arith.constant 0 : i32
    %dma_start3A_115 = tpu.memref_slice %arg6[%dma_start3A_106, %dma_start3A_113, %dma_start3A_114] : memref<4x32x128xf32, #tpu.memory_space<vmem>> -> memref<1x32x128xf32, #tpu.memory_space<vmem>>
    %dma_start3A_116 = tpu.memref_squeeze %dma_start3A_115 : memref<1x32x128xf32, #tpu.memory_space<vmem>> -> memref<32x128xf32, #tpu.memory_space<vmem>>
    %dma_start3A_117 = arith.constant 0 : i32
    %dma_start3A_118 = tpu.memref_slice %arg3[%add3A_92, %dma_start3A_117] : memref<131072x128xf32, #tpu.memory_space<hbm>> -> memref<32x128xf32, #tpu.memory_space<hbm>>
    tpu.enqueue_dma source(%dma_start3A_118 : memref<32x128xf32, #tpu.memory_space<hbm>>) target(%dma_start3A_116 : memref<32x128xf32, #tpu.memory_space<vmem>>) target_semaphore(%arg11 : memref<!tpu.dma_semaphore, #tpu.memory_space<semaphore_mem>>)
    %scan3A = arith.constant 0 : i32
    %scan3A_119 = arith.constant 0 : i32
    %scan3A_120 = arith.constant 32 : i32
    %scan3A_121 = arith.addi %scan3A_119, %scan3A_120 : i32
    %scan3A_122 = arith.constant 1 : i32
    scf.for %scan3A_124 = %scan3A_119 to %scan3A_121 step %scan3A_122  : i32 {
      %mul3A_125 = arith.constant 4 : i32
      %mul3A_126 = arith.muli %scan3A_124, %mul3A_125 : i32
      %add3A_127 = arith.constant 0 : i32
      %add3A_128 = arith.addi %mul3A_126, %add3A_127 : i32
      %mul3A_129 = arith.constant 32 : i32
      %mul3A_130 = arith.muli %add3A_128, %mul3A_129 : i32
      %add3A_131 = arith.addi %mul3A_2, %mul3A_130 : i32
      %dma_wait3A = arith.constant 0 : i32
      %dma_wait3A_132 = arith.constant 0 : i32
      %dma_wait3A_133 = arith.constant 0 : i32
      %dma_wait3A_134 = tpu.memref_slice %arg5[%dma_wait3A, %dma_wait3A_132, %dma_wait3A_133] : memref<4x32x128xf32, #tpu.memory_space<vmem>> -> memref<1x32x128xf32, #tpu.memory_space<vmem>>
      %dma_wait3A_135 = tpu.memref_squeeze %dma_wait3A_134 : memref<1x32x128xf32, #tpu.memory_space<vmem>> -> memref<32x128xf32, #tpu.memory_space<vmem>>
      %dma_wait3A_136 = arith.constant 0 : i32
      %dma_wait3A_137 = tpu.memref_slice %arg2[%add3A_131, %dma_wait3A_136] : memref<131072x128xf32, #tpu.memory_space<hbm>> -> memref<32x128xf32, #tpu.memory_space<hbm>>
      %dma_wait3A_138 = arith.constant 0 : i32
      %dma_wait3A_139 = arith.constant 0 : i32
      %dma_wait3A_140 = tpu.memref_slice %arg5[%dma_wait3A, %dma_wait3A_138, %dma_wait3A_139] : memref<4x32x128xf32, #tpu.memory_space<vmem>> -> memref<1x32x128xf32, #tpu.memory_space<vmem>>
      %dma_wait3A_141 = tpu.memref_squeeze %dma_wait3A_140 : memref<1x32x128xf32, #tpu.memory_space<vmem>> -> memref<32x128xf32, #tpu.memory_space<vmem>>
      %dma_wait3A_142 = arith.constant 0 : i32
      %dma_wait3A_143 = tpu.memref_slice %arg2[%add3A_131, %dma_wait3A_142] : memref<131072x128xf32, #tpu.memory_space<hbm>> -> memref<32x128xf32, #tpu.memory_space<hbm>>
      tpu.wait_dma2 semaphore(%arg8 : memref<!tpu.dma_semaphore, #tpu.memory_space<semaphore_mem>>) src(%dma_wait3A_143 : memref<32x128xf32, #tpu.memory_space<hbm>>) dst(%dma_wait3A_141 : memref<32x128xf32, #tpu.memory_space<vmem>>)
      %dma_wait3A_144 = arith.constant 0 : i32
      %dma_wait3A_145 = arith.constant 0 : i32
      %dma_wait3A_146 = arith.constant 0 : i32
      %dma_wait3A_147 = tpu.memref_slice %arg6[%dma_wait3A_144, %dma_wait3A_145, %dma_wait3A_146] : memref<4x32x128xf32, #tpu.memory_space<vmem>> -> memref<1x32x128xf32, #tpu.memory_space<vmem>>
      %dma_wait3A_148 = tpu.memref_squeeze %dma_wait3A_147 : memref<1x32x128xf32, #tpu.memory_space<vmem>> -> memref<32x128xf32, #tpu.memory_space<vmem>>
      %dma_wait3A_149 = arith.constant 0 : i32
      %dma_wait3A_150 = tpu.memref_slice %arg3[%add3A_131, %dma_wait3A_149] : memref<131072x128xf32, #tpu.memory_space<hbm>> -> memref<32x128xf32, #tpu.memory_space<hbm>>
      %dma_wait3A_151 = arith.constant 0 : i32
      %dma_wait3A_152 = arith.constant 0 : i32
      %dma_wait3A_153 = tpu.memref_slice %arg6[%dma_wait3A_144, %dma_wait3A_151, %dma_wait3A_152] : memref<4x32x128xf32, #tpu.memory_space<vmem>> -> memref<1x32x128xf32, #tpu.memory_space<vmem>>
      %dma_wait3A_154 = tpu.memref_squeeze %dma_wait3A_153 : memref<1x32x128xf32, #tpu.memory_space<vmem>> -> memref<32x128xf32, #tpu.memory_space<vmem>>
      %dma_wait3A_155 = arith.constant 0 : i32
      %dma_wait3A_156 = tpu.memref_slice %arg3[%add3A_131, %dma_wait3A_155] : memref<131072x128xf32, #tpu.memory_space<hbm>> -> memref<32x128xf32, #tpu.memory_space<hbm>>
      tpu.wait_dma2 semaphore(%arg8 : memref<!tpu.dma_semaphore, #tpu.memory_space<semaphore_mem>>) src(%dma_wait3A_156 : memref<32x128xf32, #tpu.memory_space<hbm>>) dst(%dma_wait3A_154 : memref<32x128xf32, #tpu.memory_space<vmem>>)
      %parallel_loop3A_157 = arith.constant 0 : i32
      %parallel_loop3A_158 = arith.constant 256 : i32
      %parallel_loop3A_159 = arith.constant 1 : i32
      scf.for %parallel_loop3A_293 = %parallel_loop3A_157 to %parallel_loop3A_158 step %parallel_loop3A_159  : i32 {
        %parallel_loop3A_294 = arith.constant 3 : i32
        %parallel_loop3A_295 = arith.shrui %parallel_loop3A_293, %parallel_loop3A_294 : i32
        %parallel_loop3A_296 = arith.constant 7 : i32
        %parallel_loop3A_297 = arith.andi %parallel_loop3A_293, %parallel_loop3A_296 : i32
        %parallel_loop3A_298 = arith.constant 16 : i32
        %parallel_loop3A_299 = arith.muli %parallel_loop3A_297, %parallel_loop3A_298 : i32
        %parallel_loop3A_300 = arith.constant 0 : i32
        %parallel_loop3A_301 = arith.index_cast %parallel_loop3A_300 : i32 to index
        %parallel_loop3A_302 = arith.index_cast %parallel_loop3A_295 : i32 to index
        %parallel_loop3A_303 = arith.index_cast %parallel_loop3A_299 : i32 to index
        %parallel_loop3A_304 = tpu.vector_load %arg5[%parallel_loop3A_301, %parallel_loop3A_302, %parallel_loop3A_303] {strides = array<i32>} : memref<4x32x128xf32, #tpu.memory_space<vmem>>, vector<16xf32>,
        %parallel_loop3A_305 = arith.constant 0 : i32
        %parallel_loop3A_306 = arith.index_cast %parallel_loop3A_305 : i32 to index
        %parallel_loop3A_307 = arith.index_cast %parallel_loop3A_295 : i32 to index
        %parallel_loop3A_308 = arith.index_cast %parallel_loop3A_299 : i32 to index
        %parallel_loop3A_309 = tpu.vector_load %arg6[%parallel_loop3A_306, %parallel_loop3A_307, %parallel_loop3A_308] {strides = array<i32>} : memref<4x32x128xf32, #tpu.memory_space<vmem>>, vector<16xf32>,
        %parallel_loop3A_310 = arith.subf %parallel_loop3A_304, %parallel_loop3A_309 : vector<16xf32>
        %parallel_loop3A_311 = arith.mulf %parallel_loop3A_310, %parallel_loop3A_310 : vector<16xf32>
        %parallel_loop3A_312 = tpu.bitcast %parallel_loop3A_311 : vector<16xf32> -> vector<16xi32>
        %parallel_loop3A_313 = arith.constant 16 : i32
        %parallel_loop3A_314 = vector.broadcast %parallel_loop3A_313 : i32 to vector<16xi32>
        %parallel_loop3A_315 = arith.shrui %parallel_loop3A_312, %parallel_loop3A_314 : vector<16xi32>
        %parallel_loop3A_316 = arith.constant 7 : i32
        %parallel_loop3A_317 = vector.broadcast %parallel_loop3A_316 : i32 to vector<16xi32>
        %parallel_loop3A_318 = arith.shrui %parallel_loop3A_315, %parallel_loop3A_317 : vector<16xi32>
        %parallel_loop3A_319 = arith.constant 127 : i32
        %parallel_loop3A_320 = vector.broadcast %parallel_loop3A_319 : i32 to vector<16xi32>
        %parallel_loop3A_321 = arith.andi %parallel_loop3A_315, %parallel_loop3A_320 : vector<16xi32>
        tpu.vector_store_idx %arg7[%parallel_loop3A_318, %parallel_loop3A_321], %broadcast_in_dim3A_7 {add = true} : memref<512x128xi32, #tpu.memory_space<vmem>>[vector<16xi32>, vector<16xi32>], vector<16xi32>,
      } {sc.loop_unroll_factor = 32 : i64, sc.parallel_access}
      %add3A_160 = arith.constant 4 : i32
      %add3A_161 = arith.addi %add3A_128, %add3A_160 : i32
      %lt3A = arith.constant 128 : i32
      %lt3A_162 = arith.cmpi slt, %add3A_161, %lt3A : i32
      %convert_element_type3A = arith.extui %lt3A_162 : i1 to i32
      %cond3A = arith.constant 0 : i32
      %cond3A_163 = arith.cmpi ne, %convert_element_type3A, %cond3A : i32
      scf.if %cond3A_163 {
        %add3A_293 = arith.constant 128 : i32
        %add3A_294 = arith.addi %add3A_131, %add3A_293 : i32
        %dma_start3A_295 = arith.constant 0 : i32
        %dma_start3A_296 = arith.constant 0 : i32
        %dma_start3A_297 = arith.constant 0 : i32
        %dma_start3A_298 = tpu.memref_slice %arg5[%dma_start3A_295, %dma_start3A_296, %dma_start3A_297] : memref<4x32x128xf32, #tpu.memory_space<vmem>> -> memref<1x32x128xf32, #tpu.memory_space<vmem>>
        %dma_start3A_299 = tpu.memref_squeeze %dma_start3A_298 : memref<1x32x128xf32, #tpu.memory_space<vmem>> -> memref<32x128xf32, #tpu.memory_space<vmem>>
        %dma_start3A_300 = arith.constant 0 : i32
        %dma_start3A_301 = tpu.memref_slice %arg2[%add3A_294, %dma_start3A_300] : memref<131072x128xf32, #tpu.memory_space<hbm>> -> memref<32x128xf32, #tpu.memory_space<hbm>>
        %dma_start3A_302 = arith.constant 0 : i32
        %dma_start3A_303 = arith.constant 0 : i32
        %dma_start3A_304 = tpu.memref_slice %arg5[%dma_start3A_295, %dma_start3A_302, %dma_start3A_303] : memref<4x32x128xf32, #tpu.memory_space<vmem>> -> memref<1x32x128xf32, #tpu.memory_space<vmem>>
        %dma_start3A_305 = tpu.memref_squeeze %dma_start3A_304 : memref<1x32x128xf32, #tpu.memory_space<vmem>> -> memref<32x128xf32, #tpu.memory_space<vmem>>
        %dma_start3A_306 = arith.constant 0 : i32
        %dma_start3A_307 = tpu.memref_slice %arg2[%add3A_294, %dma_start3A_306] : memref<131072x128xf32, #tpu.memory_space<hbm>> -> memref<32x128xf32, #tpu.memory_space<hbm>>
        tpu.enqueue_dma source(%dma_start3A_307 : memref<32x128xf32, #tpu.memory_space<hbm>>) target(%dma_start3A_305 : memref<32x128xf32, #tpu.memory_space<vmem>>) target_semaphore(%arg8 : memref<!tpu.dma_semaphore, #tpu.memory_space<semaphore_mem>>)
        %dma_start3A_308 = arith.constant 0 : i32
        %dma_start3A_309 = arith.constant 0 : i32
        %dma_start3A_310 = arith.constant 0 : i32
        %dma_start3A_311 = tpu.memref_slice %arg6[%dma_start3A_308, %dma_start3A_309, %dma_start3A_310] : memref<4x32x128xf32, #tpu.memory_space<vmem>> -> memref<1x32x128xf32, #tpu.memory_space<vmem>>
        %dma_start3A_312 = tpu.memref_squeeze %dma_start3A_311 : memref<1x32x128xf32, #tpu.memory_space<vmem>> -> memref<32x128xf32, #tpu.memory_space<vmem>>
        %dma_start3A_313 = arith.constant 0 : i32
        %dma_start3A_314 = tpu.memref_slice %arg3[%add3A_294, %dma_start3A_313] : memref<131072x128xf32, #tpu.memory_space<hbm>> -> memref<32x128xf32, #tpu.memory_space<hbm>>
        %dma_start3A_315 = arith.constant 0 : i32
        %dma_start3A_316 = arith.constant 0 : i32
        %dma_start3A_317 = tpu.memref_slice %arg6[%dma_start3A_308, %dma_start3A_315, %dma_start3A_316] : memref<4x32x128xf32, #tpu.memory_space<vmem>> -> memref<1x32x128xf32, #tpu.memory_space<vmem>>
        %dma_start3A_318 = tpu.memref_squeeze %dma_start3A_317 : memref<1x32x128xf32, #tpu.memory_space<vmem>> -> memref<32x128xf32, #tpu.memory_space<vmem>>
        %dma_start3A_319 = arith.constant 0 : i32
        %dma_start3A_320 = tpu.memref_slice %arg3[%add3A_294, %dma_start3A_319] : memref<131072x128xf32, #tpu.memory_space<hbm>> -> memref<32x128xf32, #tpu.memory_space<hbm>>
        tpu.enqueue_dma source(%dma_start3A_320 : memref<32x128xf32, #tpu.memory_space<hbm>>) target(%dma_start3A_318 : memref<32x128xf32, #tpu.memory_space<vmem>>) target_semaphore(%arg8 : memref<!tpu.dma_semaphore, #tpu.memory_space<semaphore_mem>>)
      } else {
      }
      %mul3A_164 = arith.constant 4 : i32
      %mul3A_165 = arith.muli %scan3A_124, %mul3A_164 : i32
      %add3A_166 = arith.constant 1 : i32
      %add3A_167 = arith.addi %mul3A_165, %add3A_166 : i32
      %mul3A_168 = arith.constant 32 : i32
      %mul3A_169 = arith.muli %add3A_167, %mul3A_168 : i32
      %add3A_170 = arith.addi %mul3A_2, %mul3A_169 : i32
      %dma_wait3A_171 = arith.constant 1 : i32
      %dma_wait3A_172 = arith.constant 0 : i32
      %dma_wait3A_173 = arith.constant 0 : i32
      %dma_wait3A_174 = tpu.memref_slice %arg5[%dma_wait3A_171, %dma_wait3A_172, %dma_wait3A_173] : memref<4x32x128xf32, #tpu.memory_space<vmem>> -> memref<1x32x128xf32, #tpu.memory_space<vmem>>
      %dma_wait3A_175 = tpu.memref_squeeze %dma_wait3A_174 : memref<1x32x128xf32, #tpu.memory_space<vmem>> -> memref<32x128xf32, #tpu.memory_space<vmem>>
      %dma_wait3A_176 = arith.constant 0 : i32
      %dma_wait3A_177 = tpu.memref_slice %arg2[%add3A_170, %dma_wait3A_176] : memref<131072x128xf32, #tpu.memory_space<hbm>> -> memref<32x128xf32, #tpu.memory_space<hbm>>
      %dma_wait3A_178 = arith.constant 0 : i32
      %dma_wait3A_179 = arith.constant 0 : i32
      %dma_wait3A_180 = tpu.memref_slice %arg5[%dma_wait3A_171, %dma_wait3A_178, %dma_wait3A_179] : memref<4x32x128xf32, #tpu.memory_space<vmem>> -> memref<1x32x128xf32, #tpu.memory_space<vmem>>
      %dma_wait3A_181 = tpu.memref_squeeze %dma_wait3A_180 : memref<1x32x128xf32, #tpu.memory_space<vmem>> -> memref<32x128xf32, #tpu.memory_space<vmem>>
      %dma_wait3A_182 = arith.constant 0 : i32
      %dma_wait3A_183 = tpu.memref_slice %arg2[%add3A_170, %dma_wait3A_182] : memref<131072x128xf32, #tpu.memory_space<hbm>> -> memref<32x128xf32, #tpu.memory_space<hbm>>
      tpu.wait_dma2 semaphore(%arg9 : memref<!tpu.dma_semaphore, #tpu.memory_space<semaphore_mem>>) src(%dma_wait3A_183 : memref<32x128xf32, #tpu.memory_space<hbm>>) dst(%dma_wait3A_181 : memref<32x128xf32, #tpu.memory_space<vmem>>)
      %dma_wait3A_184 = arith.constant 1 : i32
      %dma_wait3A_185 = arith.constant 0 : i32
      %dma_wait3A_186 = arith.constant 0 : i32
      %dma_wait3A_187 = tpu.memref_slice %arg6[%dma_wait3A_184, %dma_wait3A_185, %dma_wait3A_186] : memref<4x32x128xf32, #tpu.memory_space<vmem>> -> memref<1x32x128xf32, #tpu.memory_space<vmem>>
      %dma_wait3A_188 = tpu.memref_squeeze %dma_wait3A_187 : memref<1x32x128xf32, #tpu.memory_space<vmem>> -> memref<32x128xf32, #tpu.memory_space<vmem>>
      %dma_wait3A_189 = arith.constant 0 : i32
      %dma_wait3A_190 = tpu.memref_slice %arg3[%add3A_170, %dma_wait3A_189] : memref<131072x128xf32, #tpu.memory_space<hbm>> -> memref<32x128xf32, #tpu.memory_space<hbm>>
      %dma_wait3A_191 = arith.constant 0 : i32
      %dma_wait3A_192 = arith.constant 0 : i32
      %dma_wait3A_193 = tpu.memref_slice %arg6[%dma_wait3A_184, %dma_wait3A_191, %dma_wait3A_192] : memref<4x32x128xf32, #tpu.memory_space<vmem>> -> memref<1x32x128xf32, #tpu.memory_space<vmem>>
      %dma_wait3A_194 = tpu.memref_squeeze %dma_wait3A_193 : memref<1x32x128xf32, #tpu.memory_space<vmem>> -> memref<32x128xf32, #tpu.memory_space<vmem>>
      %dma_wait3A_195 = arith.constant 0 : i32
      %dma_wait3A_196 = tpu.memref_slice %arg3[%add3A_170, %dma_wait3A_195] : memref<131072x128xf32, #tpu.memory_space<hbm>> -> memref<32x128xf32, #tpu.memory_space<hbm>>
      tpu.wait_dma2 semaphore(%arg9 : memref<!tpu.dma_semaphore, #tpu.memory_space<semaphore_mem>>) src(%dma_wait3A_196 : memref<32x128xf32, #tpu.memory_space<hbm>>) dst(%dma_wait3A_194 : memref<32x128xf32, #tpu.memory_space<vmem>>)
      %parallel_loop3A_197 = arith.constant 0 : i32
      %parallel_loop3A_198 = arith.constant 256 : i32
      %parallel_loop3A_199 = arith.constant 1 : i32
      scf.for %parallel_loop3A_293 = %parallel_loop3A_197 to %parallel_loop3A_198 step %parallel_loop3A_199  : i32 {
        %parallel_loop3A_294 = arith.constant 3 : i32
        %parallel_loop3A_295 = arith.shrui %parallel_loop3A_293, %parallel_loop3A_294 : i32
        %parallel_loop3A_296 = arith.constant 7 : i32
        %parallel_loop3A_297 = arith.andi %parallel_loop3A_293, %parallel_loop3A_296 : i32
        %parallel_loop3A_298 = arith.constant 16 : i32
        %parallel_loop3A_299 = arith.muli %parallel_loop3A_297, %parallel_loop3A_298 : i32
        %parallel_loop3A_300 = arith.constant 1 : i32
        %parallel_loop3A_301 = arith.index_cast %parallel_loop3A_300 : i32 to index
        %parallel_loop3A_302 = arith.index_cast %parallel_loop3A_295 : i32 to index
        %parallel_loop3A_303 = arith.index_cast %parallel_loop3A_299 : i32 to index
        %parallel_loop3A_304 = tpu.vector_load %arg5[%parallel_loop3A_301, %parallel_loop3A_302, %parallel_loop3A_303] {strides = array<i32>} : memref<4x32x128xf32, #tpu.memory_space<vmem>>, vector<16xf32>,
        %parallel_loop3A_305 = arith.constant 1 : i32
        %parallel_loop3A_306 = arith.index_cast %parallel_loop3A_305 : i32 to index
        %parallel_loop3A_307 = arith.index_cast %parallel_loop3A_295 : i32 to index
        %parallel_loop3A_308 = arith.index_cast %parallel_loop3A_299 : i32 to index
        %parallel_loop3A_309 = tpu.vector_load %arg6[%parallel_loop3A_306, %parallel_loop3A_307, %parallel_loop3A_308] {strides = array<i32>} : memref<4x32x128xf32, #tpu.memory_space<vmem>>, vector<16xf32>,
        %parallel_loop3A_310 = arith.subf %parallel_loop3A_304, %parallel_loop3A_309 : vector<16xf32>
        %parallel_loop3A_311 = arith.mulf %parallel_loop3A_310, %parallel_loop3A_310 : vector<16xf32>
        %parallel_loop3A_312 = tpu.bitcast %parallel_loop3A_311 : vector<16xf32> -> vector<16xi32>
        %parallel_loop3A_313 = arith.constant 16 : i32
        %parallel_loop3A_314 = vector.broadcast %parallel_loop3A_313 : i32 to vector<16xi32>
        %parallel_loop3A_315 = arith.shrui %parallel_loop3A_312, %parallel_loop3A_314 : vector<16xi32>
        %parallel_loop3A_316 = arith.constant 7 : i32
        %parallel_loop3A_317 = vector.broadcast %parallel_loop3A_316 : i32 to vector<16xi32>
        %parallel_loop3A_318 = arith.shrui %parallel_loop3A_315, %parallel_loop3A_317 : vector<16xi32>
        %parallel_loop3A_319 = arith.constant 127 : i32
        %parallel_loop3A_320 = vector.broadcast %parallel_loop3A_319 : i32 to vector<16xi32>
        %parallel_loop3A_321 = arith.andi %parallel_loop3A_315, %parallel_loop3A_320 : vector<16xi32>
        tpu.vector_store_idx %arg7[%parallel_loop3A_318, %parallel_loop3A_321], %broadcast_in_dim3A_7 {add = true} : memref<512x128xi32, #tpu.memory_space<vmem>>[vector<16xi32>, vector<16xi32>], vector<16xi32>,
      } {sc.loop_unroll_factor = 32 : i64, sc.parallel_access}
      %add3A_200 = arith.constant 4 : i32
      %add3A_201 = arith.addi %add3A_167, %add3A_200 : i32
      %lt3A_202 = arith.constant 128 : i32
      %lt3A_203 = arith.cmpi slt, %add3A_201, %lt3A_202 : i32
      %convert_element_type3A_204 = arith.extui %lt3A_203 : i1 to i32
      %cond3A_205 = arith.constant 0 : i32
      %cond3A_206 = arith.cmpi ne, %convert_element_type3A_204, %cond3A_205 : i32
      scf.if %cond3A_206 {
        %add3A_293 = arith.constant 128 : i32
        %add3A_294 = arith.addi %add3A_170, %add3A_293 : i32
        %dma_start3A_295 = arith.constant 1 : i32
        %dma_start3A_296 = arith.constant 0 : i32
        %dma_start3A_297 = arith.constant 0 : i32
        %dma_start3A_298 = tpu.memref_slice %arg5[%dma_start3A_295, %dma_start3A_296, %dma_start3A_297] : memref<4x32x128xf32, #tpu.memory_space<vmem>> -> memref<1x32x128xf32, #tpu.memory_space<vmem>>
        %dma_start3A_299 = tpu.memref_squeeze %dma_start3A_298 : memref<1x32x128xf32, #tpu.memory_space<vmem>> -> memref<32x128xf32, #tpu.memory_space<vmem>>
        %dma_start3A_300 = arith.constant 0 : i32
        %dma_start3A_301 = tpu.memref_slice %arg2[%add3A_294, %dma_start3A_300] : memref<131072x128xf32, #tpu.memory_space<hbm>> -> memref<32x128xf32, #tpu.memory_space<hbm>>
        %dma_start3A_302 = arith.constant 0 : i32
        %dma_start3A_303 = arith.constant 0 : i32
        %dma_start3A_304 = tpu.memref_slice %arg5[%dma_start3A_295, %dma_start3A_302, %dma_start3A_303] : memref<4x32x128xf32, #tpu.memory_space<vmem>> -> memref<1x32x128xf32, #tpu.memory_space<vmem>>
        %dma_start3A_305 = tpu.memref_squeeze %dma_start3A_304 : memref<1x32x128xf32, #tpu.memory_space<vmem>> -> memref<32x128xf32, #tpu.memory_space<vmem>>
        %dma_start3A_306 = arith.constant 0 : i32
        %dma_start3A_307 = tpu.memref_slice %arg2[%add3A_294, %dma_start3A_306] : memref<131072x128xf32, #tpu.memory_space<hbm>> -> memref<32x128xf32, #tpu.memory_space<hbm>>
        tpu.enqueue_dma source(%dma_start3A_307 : memref<32x128xf32, #tpu.memory_space<hbm>>) target(%dma_start3A_305 : memref<32x128xf32, #tpu.memory_space<vmem>>) target_semaphore(%arg9 : memref<!tpu.dma_semaphore, #tpu.memory_space<semaphore_mem>>)
        %dma_start3A_308 = arith.constant 1 : i32
        %dma_start3A_309 = arith.constant 0 : i32
        %dma_start3A_310 = arith.constant 0 : i32
        %dma_start3A_311 = tpu.memref_slice %arg6[%dma_start3A_308, %dma_start3A_309, %dma_start3A_310] : memref<4x32x128xf32, #tpu.memory_space<vmem>> -> memref<1x32x128xf32, #tpu.memory_space<vmem>>
        %dma_start3A_312 = tpu.memref_squeeze %dma_start3A_311 : memref<1x32x128xf32, #tpu.memory_space<vmem>> -> memref<32x128xf32, #tpu.memory_space<vmem>>
        %dma_start3A_313 = arith.constant 0 : i32
        %dma_start3A_314 = tpu.memref_slice %arg3[%add3A_294, %dma_start3A_313] : memref<131072x128xf32, #tpu.memory_space<hbm>> -> memref<32x128xf32, #tpu.memory_space<hbm>>
        %dma_start3A_315 = arith.constant 0 : i32
        %dma_start3A_316 = arith.constant 0 : i32
        %dma_start3A_317 = tpu.memref_slice %arg6[%dma_start3A_308, %dma_start3A_315, %dma_start3A_316] : memref<4x32x128xf32, #tpu.memory_space<vmem>> -> memref<1x32x128xf32, #tpu.memory_space<vmem>>
        %dma_start3A_318 = tpu.memref_squeeze %dma_start3A_317 : memref<1x32x128xf32, #tpu.memory_space<vmem>> -> memref<32x128xf32, #tpu.memory_space<vmem>>
        %dma_start3A_319 = arith.constant 0 : i32
        %dma_start3A_320 = tpu.memref_slice %arg3[%add3A_294, %dma_start3A_319] : memref<131072x128xf32, #tpu.memory_space<hbm>> -> memref<32x128xf32, #tpu.memory_space<hbm>>
        tpu.enqueue_dma source(%dma_start3A_320 : memref<32x128xf32, #tpu.memory_space<hbm>>) target(%dma_start3A_318 : memref<32x128xf32, #tpu.memory_space<vmem>>) target_semaphore(%arg9 : memref<!tpu.dma_semaphore, #tpu.memory_space<semaphore_mem>>)
      } else {
      }
      %mul3A_207 = arith.constant 4 : i32
      %mul3A_208 = arith.muli %scan3A_124, %mul3A_207 : i32
      %add3A_209 = arith.constant 2 : i32
      %add3A_210 = arith.addi %mul3A_208, %add3A_209 : i32
      %mul3A_211 = arith.constant 32 : i32
      %mul3A_212 = arith.muli %add3A_210, %mul3A_211 : i32
      %add3A_213 = arith.addi %mul3A_2, %mul3A_212 : i32
      %dma_wait3A_214 = arith.constant 2 : i32
      %dma_wait3A_215 = arith.constant 0 : i32
      %dma_wait3A_216 = arith.constant 0 : i32
      %dma_wait3A_217 = tpu.memref_slice %arg5[%dma_wait3A_214, %dma_wait3A_215, %dma_wait3A_216] : memref<4x32x128xf32, #tpu.memory_space<vmem>> -> memref<1x32x128xf32, #tpu.memory_space<vmem>>
      %dma_wait3A_218 = tpu.memref_squeeze %dma_wait3A_217 : memref<1x32x128xf32, #tpu.memory_space<vmem>> -> memref<32x128xf32, #tpu.memory_space<vmem>>
      %dma_wait3A_219 = arith.constant 0 : i32
      %dma_wait3A_220 = tpu.memref_slice %arg2[%add3A_213, %dma_wait3A_219] : memref<131072x128xf32, #tpu.memory_space<hbm>> -> memref<32x128xf32, #tpu.memory_space<hbm>>
      %dma_wait3A_221 = arith.constant 0 : i32
      %dma_wait3A_222 = arith.constant 0 : i32
      %dma_wait3A_223 = tpu.memref_slice %arg5[%dma_wait3A_214, %dma_wait3A_221, %dma_wait3A_222] : memref<4x32x128xf32, #tpu.memory_space<vmem>> -> memref<1x32x128xf32, #tpu.memory_space<vmem>>
      %dma_wait3A_224 = tpu.memref_squeeze %dma_wait3A_223 : memref<1x32x128xf32, #tpu.memory_space<vmem>> -> memref<32x128xf32, #tpu.memory_space<vmem>>
      %dma_wait3A_225 = arith.constant 0 : i32
      %dma_wait3A_226 = tpu.memref_slice %arg2[%add3A_213, %dma_wait3A_225] : memref<131072x128xf32, #tpu.memory_space<hbm>> -> memref<32x128xf32, #tpu.memory_space<hbm>>
      tpu.wait_dma2 semaphore(%arg10 : memref<!tpu.dma_semaphore, #tpu.memory_space<semaphore_mem>>) src(%dma_wait3A_226 : memref<32x128xf32, #tpu.memory_space<hbm>>) dst(%dma_wait3A_224 : memref<32x128xf32, #tpu.memory_space<vmem>>)
      %dma_wait3A_227 = arith.constant 2 : i32
      %dma_wait3A_228 = arith.constant 0 : i32
      %dma_wait3A_229 = arith.constant 0 : i32
      %dma_wait3A_230 = tpu.memref_slice %arg6[%dma_wait3A_227, %dma_wait3A_228, %dma_wait3A_229] : memref<4x32x128xf32, #tpu.memory_space<vmem>> -> memref<1x32x128xf32, #tpu.memory_space<vmem>>
      %dma_wait3A_231 = tpu.memref_squeeze %dma_wait3A_230 : memref<1x32x128xf32, #tpu.memory_space<vmem>> -> memref<32x128xf32, #tpu.memory_space<vmem>>
      %dma_wait3A_232 = arith.constant 0 : i32
      %dma_wait3A_233 = tpu.memref_slice %arg3[%add3A_213, %dma_wait3A_232] : memref<131072x128xf32, #tpu.memory_space<hbm>> -> memref<32x128xf32, #tpu.memory_space<hbm>>
      %dma_wait3A_234 = arith.constant 0 : i32
      %dma_wait3A_235 = arith.constant 0 : i32
      %dma_wait3A_236 = tpu.memref_slice %arg6[%dma_wait3A_227, %dma_wait3A_234, %dma_wait3A_235] : memref<4x32x128xf32, #tpu.memory_space<vmem>> -> memref<1x32x128xf32, #tpu.memory_space<vmem>>
      %dma_wait3A_237 = tpu.memref_squeeze %dma_wait3A_236 : memref<1x32x128xf32, #tpu.memory_space<vmem>> -> memref<32x128xf32, #tpu.memory_space<vmem>>
      %dma_wait3A_238 = arith.constant 0 : i32
      %dma_wait3A_239 = tpu.memref_slice %arg3[%add3A_213, %dma_wait3A_238] : memref<131072x128xf32, #tpu.memory_space<hbm>> -> memref<32x128xf32, #tpu.memory_space<hbm>>
      tpu.wait_dma2 semaphore(%arg10 : memref<!tpu.dma_semaphore, #tpu.memory_space<semaphore_mem>>) src(%dma_wait3A_239 : memref<32x128xf32, #tpu.memory_space<hbm>>) dst(%dma_wait3A_237 : memref<32x128xf32, #tpu.memory_space<vmem>>)
      %parallel_loop3A_240 = arith.constant 0 : i32
      %parallel_loop3A_241 = arith.constant 256 : i32
      %parallel_loop3A_242 = arith.constant 1 : i32
      scf.for %parallel_loop3A_293 = %parallel_loop3A_240 to %parallel_loop3A_241 step %parallel_loop3A_242  : i32 {
        %parallel_loop3A_294 = arith.constant 3 : i32
        %parallel_loop3A_295 = arith.shrui %parallel_loop3A_293, %parallel_loop3A_294 : i32
        %parallel_loop3A_296 = arith.constant 7 : i32
        %parallel_loop3A_297 = arith.andi %parallel_loop3A_293, %parallel_loop3A_296 : i32
        %parallel_loop3A_298 = arith.constant 16 : i32
        %parallel_loop3A_299 = arith.muli %parallel_loop3A_297, %parallel_loop3A_298 : i32
        %parallel_loop3A_300 = arith.constant 2 : i32
        %parallel_loop3A_301 = arith.index_cast %parallel_loop3A_300 : i32 to index
        %parallel_loop3A_302 = arith.index_cast %parallel_loop3A_295 : i32 to index
        %parallel_loop3A_303 = arith.index_cast %parallel_loop3A_299 : i32 to index
        %parallel_loop3A_304 = tpu.vector_load %arg5[%parallel_loop3A_301, %parallel_loop3A_302, %parallel_loop3A_303] {strides = array<i32>} : memref<4x32x128xf32, #tpu.memory_space<vmem>>, vector<16xf32>,
        %parallel_loop3A_305 = arith.constant 2 : i32
        %parallel_loop3A_306 = arith.index_cast %parallel_loop3A_305 : i32 to index
        %parallel_loop3A_307 = arith.index_cast %parallel_loop3A_295 : i32 to index
        %parallel_loop3A_308 = arith.index_cast %parallel_loop3A_299 : i32 to index
        %parallel_loop3A_309 = tpu.vector_load %arg6[%parallel_loop3A_306, %parallel_loop3A_307, %parallel_loop3A_308] {strides = array<i32>} : memref<4x32x128xf32, #tpu.memory_space<vmem>>, vector<16xf32>,
        %parallel_loop3A_310 = arith.subf %parallel_loop3A_304, %parallel_loop3A_309 : vector<16xf32>
        %parallel_loop3A_311 = arith.mulf %parallel_loop3A_310, %parallel_loop3A_310 : vector<16xf32>
        %parallel_loop3A_312 = tpu.bitcast %parallel_loop3A_311 : vector<16xf32> -> vector<16xi32>
        %parallel_loop3A_313 = arith.constant 16 : i32
        %parallel_loop3A_314 = vector.broadcast %parallel_loop3A_313 : i32 to vector<16xi32>
        %parallel_loop3A_315 = arith.shrui %parallel_loop3A_312, %parallel_loop3A_314 : vector<16xi32>
        %parallel_loop3A_316 = arith.constant 7 : i32
        %parallel_loop3A_317 = vector.broadcast %parallel_loop3A_316 : i32 to vector<16xi32>
        %parallel_loop3A_318 = arith.shrui %parallel_loop3A_315, %parallel_loop3A_317 : vector<16xi32>
        %parallel_loop3A_319 = arith.constant 127 : i32
        %parallel_loop3A_320 = vector.broadcast %parallel_loop3A_319 : i32 to vector<16xi32>
        %parallel_loop3A_321 = arith.andi %parallel_loop3A_315, %parallel_loop3A_320 : vector<16xi32>
        tpu.vector_store_idx %arg7[%parallel_loop3A_318, %parallel_loop3A_321], %broadcast_in_dim3A_7 {add = true} : memref<512x128xi32, #tpu.memory_space<vmem>>[vector<16xi32>, vector<16xi32>], vector<16xi32>,
      } {sc.loop_unroll_factor = 32 : i64, sc.parallel_access}
      %add3A_243 = arith.constant 4 : i32
      %add3A_244 = arith.addi %add3A_210, %add3A_243 : i32
      %lt3A_245 = arith.constant 128 : i32
      %lt3A_246 = arith.cmpi slt, %add3A_244, %lt3A_245 : i32
      %convert_element_type3A_247 = arith.extui %lt3A_246 : i1 to i32
      %cond3A_248 = arith.constant 0 : i32
      %cond3A_249 = arith.cmpi ne, %convert_element_type3A_247, %cond3A_248 : i32
      scf.if %cond3A_249 {
        %add3A_293 = arith.constant 128 : i32
        %add3A_294 = arith.addi %add3A_213, %add3A_293 : i32
        %dma_start3A_295 = arith.constant 2 : i32
        %dma_start3A_296 = arith.constant 0 : i32
        %dma_start3A_297 = arith.constant 0 : i32
        %dma_start3A_298 = tpu.memref_slice %arg5[%dma_start3A_295, %dma_start3A_296, %dma_start3A_297] : memref<4x32x128xf32, #tpu.memory_space<vmem>> -> memref<1x32x128xf32, #tpu.memory_space<vmem>>
        %dma_start3A_299 = tpu.memref_squeeze %dma_start3A_298 : memref<1x32x128xf32, #tpu.memory_space<vmem>> -> memref<32x128xf32, #tpu.memory_space<vmem>>
        %dma_start3A_300 = arith.constant 0 : i32
        %dma_start3A_301 = tpu.memref_slice %arg2[%add3A_294, %dma_start3A_300] : memref<131072x128xf32, #tpu.memory_space<hbm>> -> memref<32x128xf32, #tpu.memory_space<hbm>>
        %dma_start3A_302 = arith.constant 0 : i32
        %dma_start3A_303 = arith.constant 0 : i32
        %dma_start3A_304 = tpu.memref_slice %arg5[%dma_start3A_295, %dma_start3A_302, %dma_start3A_303] : memref<4x32x128xf32, #tpu.memory_space<vmem>> -> memref<1x32x128xf32, #tpu.memory_space<vmem>>
        %dma_start3A_305 = tpu.memref_squeeze %dma_start3A_304 : memref<1x32x128xf32, #tpu.memory_space<vmem>> -> memref<32x128xf32, #tpu.memory_space<vmem>>
        %dma_start3A_306 = arith.constant 0 : i32
        %dma_start3A_307 = tpu.memref_slice %arg2[%add3A_294, %dma_start3A_306] : memref<131072x128xf32, #tpu.memory_space<hbm>> -> memref<32x128xf32, #tpu.memory_space<hbm>>
        tpu.enqueue_dma source(%dma_start3A_307 : memref<32x128xf32, #tpu.memory_space<hbm>>) target(%dma_start3A_305 : memref<32x128xf32, #tpu.memory_space<vmem>>) target_semaphore(%arg10 : memref<!tpu.dma_semaphore, #tpu.memory_space<semaphore_mem>>)
        %dma_start3A_308 = arith.constant 2 : i32
        %dma_start3A_309 = arith.constant 0 : i32
        %dma_start3A_310 = arith.constant 0 : i32
        %dma_start3A_311 = tpu.memref_slice %arg6[%dma_start3A_308, %dma_start3A_309, %dma_start3A_310] : memref<4x32x128xf32, #tpu.memory_space<vmem>> -> memref<1x32x128xf32, #tpu.memory_space<vmem>>
        %dma_start3A_312 = tpu.memref_squeeze %dma_start3A_311 : memref<1x32x128xf32, #tpu.memory_space<vmem>> -> memref<32x128xf32, #tpu.memory_space<vmem>>
        %dma_start3A_313 = arith.constant 0 : i32
        %dma_start3A_314 = tpu.memref_slice %arg3[%add3A_294, %dma_start3A_313] : memref<131072x128xf32, #tpu.memory_space<hbm>> -> memref<32x128xf32, #tpu.memory_space<hbm>>
        %dma_start3A_315 = arith.constant 0 : i32
        %dma_start3A_316 = arith.constant 0 : i32
        %dma_start3A_317 = tpu.memref_slice %arg6[%dma_start3A_308, %dma_start3A_315, %dma_start3A_316] : memref<4x32x128xf32, #tpu.memory_space<vmem>> -> memref<1x32x128xf32, #tpu.memory_space<vmem>>
        %dma_start3A_318 = tpu.memref_squeeze %dma_start3A_317 : memref<1x32x128xf32, #tpu.memory_space<vmem>> -> memref<32x128xf32, #tpu.memory_space<vmem>>
        %dma_start3A_319 = arith.constant 0 : i32
        %dma_start3A_320 = tpu.memref_slice %arg3[%add3A_294, %dma_start3A_319] : memref<131072x128xf32, #tpu.memory_space<hbm>> -> memref<32x128xf32, #tpu.memory_space<hbm>>
        tpu.enqueue_dma source(%dma_start3A_320 : memref<32x128xf32, #tpu.memory_space<hbm>>) target(%dma_start3A_318 : memref<32x128xf32, #tpu.memory_space<vmem>>) target_semaphore(%arg10 : memref<!tpu.dma_semaphore, #tpu.memory_space<semaphore_mem>>)
      } else {
      }
      %mul3A_250 = arith.constant 4 : i32
      %mul3A_251 = arith.muli %scan3A_124, %mul3A_250 : i32
      %add3A_252 = arith.constant 3 : i32
      %add3A_253 = arith.addi %mul3A_251, %add3A_252 : i32
      %mul3A_254 = arith.constant 32 : i32
      %mul3A_255 = arith.muli %add3A_253, %mul3A_254 : i32
      %add3A_256 = arith.addi %mul3A_2, %mul3A_255 : i32
      %dma_wait3A_257 = arith.constant 3 : i32
      %dma_wait3A_258 = arith.constant 0 : i32
      %dma_wait3A_259 = arith.constant 0 : i32
      %dma_wait3A_260 = tpu.memref_slice %arg5[%dma_wait3A_257, %dma_wait3A_258, %dma_wait3A_259] : memref<4x32x128xf32, #tpu.memory_space<vmem>> -> memref<1x32x128xf32, #tpu.memory_space<vmem>>
      %dma_wait3A_261 = tpu.memref_squeeze %dma_wait3A_260 : memref<1x32x128xf32, #tpu.memory_space<vmem>> -> memref<32x128xf32, #tpu.memory_space<vmem>>
      %dma_wait3A_262 = arith.constant 0 : i32
      %dma_wait3A_263 = tpu.memref_slice %arg2[%add3A_256, %dma_wait3A_262] : memref<131072x128xf32, #tpu.memory_space<hbm>> -> memref<32x128xf32, #tpu.memory_space<hbm>>
      %dma_wait3A_264 = arith.constant 0 : i32
      %dma_wait3A_265 = arith.constant 0 : i32
      %dma_wait3A_266 = tpu.memref_slice %arg5[%dma_wait3A_257, %dma_wait3A_264, %dma_wait3A_265] : memref<4x32x128xf32, #tpu.memory_space<vmem>> -> memref<1x32x128xf32, #tpu.memory_space<vmem>>
      %dma_wait3A_267 = tpu.memref_squeeze %dma_wait3A_266 : memref<1x32x128xf32, #tpu.memory_space<vmem>> -> memref<32x128xf32, #tpu.memory_space<vmem>>
      %dma_wait3A_268 = arith.constant 0 : i32
      %dma_wait3A_269 = tpu.memref_slice %arg2[%add3A_256, %dma_wait3A_268] : memref<131072x128xf32, #tpu.memory_space<hbm>> -> memref<32x128xf32, #tpu.memory_space<hbm>>
      tpu.wait_dma2 semaphore(%arg11 : memref<!tpu.dma_semaphore, #tpu.memory_space<semaphore_mem>>) src(%dma_wait3A_269 : memref<32x128xf32, #tpu.memory_space<hbm>>) dst(%dma_wait3A_267 : memref<32x128xf32, #tpu.memory_space<vmem>>)
      %dma_wait3A_270 = arith.constant 3 : i32
      %dma_wait3A_271 = arith.constant 0 : i32
      %dma_wait3A_272 = arith.constant 0 : i32
      %dma_wait3A_273 = tpu.memref_slice %arg6[%dma_wait3A_270, %dma_wait3A_271, %dma_wait3A_272] : memref<4x32x128xf32, #tpu.memory_space<vmem>> -> memref<1x32x128xf32, #tpu.memory_space<vmem>>
      %dma_wait3A_274 = tpu.memref_squeeze %dma_wait3A_273 : memref<1x32x128xf32, #tpu.memory_space<vmem>> -> memref<32x128xf32, #tpu.memory_space<vmem>>
      %dma_wait3A_275 = arith.constant 0 : i32
      %dma_wait3A_276 = tpu.memref_slice %arg3[%add3A_256, %dma_wait3A_275] : memref<131072x128xf32, #tpu.memory_space<hbm>> -> memref<32x128xf32, #tpu.memory_space<hbm>>
      %dma_wait3A_277 = arith.constant 0 : i32
      %dma_wait3A_278 = arith.constant 0 : i32
      %dma_wait3A_279 = tpu.memref_slice %arg6[%dma_wait3A_270, %dma_wait3A_277, %dma_wait3A_278] : memref<4x32x128xf32, #tpu.memory_space<vmem>> -> memref<1x32x128xf32, #tpu.memory_space<vmem>>
      %dma_wait3A_280 = tpu.memref_squeeze %dma_wait3A_279 : memref<1x32x128xf32, #tpu.memory_space<vmem>> -> memref<32x128xf32, #tpu.memory_space<vmem>>
      %dma_wait3A_281 = arith.constant 0 : i32
      %dma_wait3A_282 = tpu.memref_slice %arg3[%add3A_256, %dma_wait3A_281] : memref<131072x128xf32, #tpu.memory_space<hbm>> -> memref<32x128xf32, #tpu.memory_space<hbm>>
      tpu.wait_dma2 semaphore(%arg11 : memref<!tpu.dma_semaphore, #tpu.memory_space<semaphore_mem>>) src(%dma_wait3A_282 : memref<32x128xf32, #tpu.memory_space<hbm>>) dst(%dma_wait3A_280 : memref<32x128xf32, #tpu.memory_space<vmem>>)
      %parallel_loop3A_283 = arith.constant 0 : i32
      %parallel_loop3A_284 = arith.constant 256 : i32
      %parallel_loop3A_285 = arith.constant 1 : i32
      scf.for %parallel_loop3A_293 = %parallel_loop3A_283 to %parallel_loop3A_284 step %parallel_loop3A_285  : i32 {
        %parallel_loop3A_294 = arith.constant 3 : i32
        %parallel_loop3A_295 = arith.shrui %parallel_loop3A_293, %parallel_loop3A_294 : i32
        %parallel_loop3A_296 = arith.constant 7 : i32
        %parallel_loop3A_297 = arith.andi %parallel_loop3A_293, %parallel_loop3A_296 : i32
        %parallel_loop3A_298 = arith.constant 16 : i32
        %parallel_loop3A_299 = arith.muli %parallel_loop3A_297, %parallel_loop3A_298 : i32
        %parallel_loop3A_300 = arith.constant 3 : i32
        %parallel_loop3A_301 = arith.index_cast %parallel_loop3A_300 : i32 to index
        %parallel_loop3A_302 = arith.index_cast %parallel_loop3A_295 : i32 to index
        %parallel_loop3A_303 = arith.index_cast %parallel_loop3A_299 : i32 to index
        %parallel_loop3A_304 = tpu.vector_load %arg5[%parallel_loop3A_301, %parallel_loop3A_302, %parallel_loop3A_303] {strides = array<i32>} : memref<4x32x128xf32, #tpu.memory_space<vmem>>, vector<16xf32>,
        %parallel_loop3A_305 = arith.constant 3 : i32
        %parallel_loop3A_306 = arith.index_cast %parallel_loop3A_305 : i32 to index
        %parallel_loop3A_307 = arith.index_cast %parallel_loop3A_295 : i32 to index
        %parallel_loop3A_308 = arith.index_cast %parallel_loop3A_299 : i32 to index
        %parallel_loop3A_309 = tpu.vector_load %arg6[%parallel_loop3A_306, %parallel_loop3A_307, %parallel_loop3A_308] {strides = array<i32>} : memref<4x32x128xf32, #tpu.memory_space<vmem>>, vector<16xf32>,
        %parallel_loop3A_310 = arith.subf %parallel_loop3A_304, %parallel_loop3A_309 : vector<16xf32>
        %parallel_loop3A_311 = arith.mulf %parallel_loop3A_310, %parallel_loop3A_310 : vector<16xf32>
        %parallel_loop3A_312 = tpu.bitcast %parallel_loop3A_311 : vector<16xf32> -> vector<16xi32>
        %parallel_loop3A_313 = arith.constant 16 : i32
        %parallel_loop3A_314 = vector.broadcast %parallel_loop3A_313 : i32 to vector<16xi32>
        %parallel_loop3A_315 = arith.shrui %parallel_loop3A_312, %parallel_loop3A_314 : vector<16xi32>
        %parallel_loop3A_316 = arith.constant 7 : i32
        %parallel_loop3A_317 = vector.broadcast %parallel_loop3A_316 : i32 to vector<16xi32>
        %parallel_loop3A_318 = arith.shrui %parallel_loop3A_315, %parallel_loop3A_317 : vector<16xi32>
        %parallel_loop3A_319 = arith.constant 127 : i32
        %parallel_loop3A_320 = vector.broadcast %parallel_loop3A_319 : i32 to vector<16xi32>
        %parallel_loop3A_321 = arith.andi %parallel_loop3A_315, %parallel_loop3A_320 : vector<16xi32>
        tpu.vector_store_idx %arg7[%parallel_loop3A_318, %parallel_loop3A_321], %broadcast_in_dim3A_7 {add = true} : memref<512x128xi32, #tpu.memory_space<vmem>>[vector<16xi32>, vector<16xi32>], vector<16xi32>,
      } {sc.loop_unroll_factor = 32 : i64, sc.parallel_access}
      %add3A_286 = arith.constant 4 : i32
      %add3A_287 = arith.addi %add3A_253, %add3A_286 : i32
      %lt3A_288 = arith.constant 128 : i32
      %lt3A_289 = arith.cmpi slt, %add3A_287, %lt3A_288 : i32
      %convert_element_type3A_290 = arith.extui %lt3A_289 : i1 to i32
      %cond3A_291 = arith.constant 0 : i32
      %cond3A_292 = arith.cmpi ne, %convert_element_type3A_290, %cond3A_291 : i32
      scf.if %cond3A_292 {
        %add3A_293 = arith.constant 128 : i32
        %add3A_294 = arith.addi %add3A_256, %add3A_293 : i32
        %dma_start3A_295 = arith.constant 3 : i32
        %dma_start3A_296 = arith.constant 0 : i32
        %dma_start3A_297 = arith.constant 0 : i32
        %dma_start3A_298 = tpu.memref_slice %arg5[%dma_start3A_295, %dma_start3A_296, %dma_start3A_297] : memref<4x32x128xf32, #tpu.memory_space<vmem>> -> memref<1x32x128xf32, #tpu.memory_space<vmem>>
        %dma_start3A_299 = tpu.memref_squeeze %dma_start3A_298 : memref<1x32x128xf32, #tpu.memory_space<vmem>> -> memref<32x128xf32, #tpu.memory_space<vmem>>
        %dma_start3A_300 = arith.constant 0 : i32
        %dma_start3A_301 = tpu.memref_slice %arg2[%add3A_294, %dma_start3A_300] : memref<131072x128xf32, #tpu.memory_space<hbm>> -> memref<32x128xf32, #tpu.memory_space<hbm>>
        %dma_start3A_302 = arith.constant 0 : i32
        %dma_start3A_303 = arith.constant 0 : i32
        %dma_start3A_304 = tpu.memref_slice %arg5[%dma_start3A_295, %dma_start3A_302, %dma_start3A_303] : memref<4x32x128xf32, #tpu.memory_space<vmem>> -> memref<1x32x128xf32, #tpu.memory_space<vmem>>
        %dma_start3A_305 = tpu.memref_squeeze %dma_start3A_304 : memref<1x32x128xf32, #tpu.memory_space<vmem>> -> memref<32x128xf32, #tpu.memory_space<vmem>>
        %dma_start3A_306 = arith.constant 0 : i32
        %dma_start3A_307 = tpu.memref_slice %arg2[%add3A_294, %dma_start3A_306] : memref<131072x128xf32, #tpu.memory_space<hbm>> -> memref<32x128xf32, #tpu.memory_space<hbm>>
        tpu.enqueue_dma source(%dma_start3A_307 : memref<32x128xf32, #tpu.memory_space<hbm>>) target(%dma_start3A_305 : memref<32x128xf32, #tpu.memory_space<vmem>>) target_semaphore(%arg11 : memref<!tpu.dma_semaphore, #tpu.memory_space<semaphore_mem>>)
        %dma_start3A_308 = arith.constant 3 : i32
        %dma_start3A_309 = arith.constant 0 : i32
        %dma_start3A_310 = arith.constant 0 : i32
        %dma_start3A_311 = tpu.memref_slice %arg6[%dma_start3A_308, %dma_start3A_309, %dma_start3A_310] : memref<4x32x128xf32, #tpu.memory_space<vmem>> -> memref<1x32x128xf32, #tpu.memory_space<vmem>>
        %dma_start3A_312 = tpu.memref_squeeze %dma_start3A_311 : memref<1x32x128xf32, #tpu.memory_space<vmem>> -> memref<32x128xf32, #tpu.memory_space<vmem>>
        %dma_start3A_313 = arith.constant 0 : i32
        %dma_start3A_314 = tpu.memref_slice %arg3[%add3A_294, %dma_start3A_313] : memref<131072x128xf32, #tpu.memory_space<hbm>> -> memref<32x128xf32, #tpu.memory_space<hbm>>
        %dma_start3A_315 = arith.constant 0 : i32
        %dma_start3A_316 = arith.constant 0 : i32
        %dma_start3A_317 = tpu.memref_slice %arg6[%dma_start3A_308, %dma_start3A_315, %dma_start3A_316] : memref<4x32x128xf32, #tpu.memory_space<vmem>> -> memref<1x32x128xf32, #tpu.memory_space<vmem>>
        %dma_start3A_318 = tpu.memref_squeeze %dma_start3A_317 : memref<1x32x128xf32, #tpu.memory_space<vmem>> -> memref<32x128xf32, #tpu.memory_space<vmem>>
        %dma_start3A_319 = arith.constant 0 : i32
        %dma_start3A_320 = tpu.memref_slice %arg3[%add3A_294, %dma_start3A_319] : memref<131072x128xf32, #tpu.memory_space<hbm>> -> memref<32x128xf32, #tpu.memory_space<hbm>>
        tpu.enqueue_dma source(%dma_start3A_320 : memref<32x128xf32, #tpu.memory_space<hbm>>) target(%dma_start3A_318 : memref<32x128xf32, #tpu.memory_space<vmem>>) target_semaphore(%arg11 : memref<!tpu.dma_semaphore, #tpu.memory_space<semaphore_mem>>)
      } else {
      }
    }
    %scan3A_123 = arith.constant 32 : i32
    "tpu.region"() ({
      %run_scoped3A = tpu.sem_alloc : memref<!tpu.dma_semaphore, #tpu.memory_space<semaphore_mem>>
      %dma_start3A_124 = arith.constant 0 : i32
      %dma_start3A_125 = arith.constant 0 : i32
      %dma_start3A_126 = tpu.memref_slice %arg4[%add3A, %dma_start3A_124, %dma_start3A_125] : memref<32x512x128xi32, #tpu.memory_space<hbm>> -> memref<1x512x128xi32, #tpu.memory_space<hbm>>
      %dma_start3A_127 = tpu.memref_squeeze %dma_start3A_126 : memref<1x512x128xi32, #tpu.memory_space<hbm>> -> memref<512x128xi32, #tpu.memory_space<hbm>>
      %dma_start3A_128 = arith.constant 0 : i32
      %dma_start3A_129 = arith.constant 0 : i32
      %dma_start3A_130 = tpu.memref_slice %arg4[%add3A, %dma_start3A_128, %dma_start3A_129] : memref<32x512x128xi32, #tpu.memory_space<hbm>> -> memref<1x512x128xi32, #tpu.memory_space<hbm>>
      %dma_start3A_131 = tpu.memref_squeeze %dma_start3A_130 : memref<1x512x128xi32, #tpu.memory_space<hbm>> -> memref<512x128xi32, #tpu.memory_space<hbm>>
      tpu.enqueue_dma source(%arg7 : memref<512x128xi32, #tpu.memory_space<vmem>>) target(%dma_start3A_131 : memref<512x128xi32, #tpu.memory_space<hbm>>) target_semaphore(%run_scoped3A : memref<!tpu.dma_semaphore, #tpu.memory_space<semaphore_mem>>)
      %dma_wait3A = arith.constant 0 : i32
      %dma_wait3A_132 = arith.constant 0 : i32
      %dma_wait3A_133 = tpu.memref_slice %arg4[%add3A, %dma_wait3A, %dma_wait3A_132] : memref<32x512x128xi32, #tpu.memory_space<hbm>> -> memref<1x512x128xi32, #tpu.memory_space<hbm>>
      %dma_wait3A_134 = tpu.memref_squeeze %dma_wait3A_133 : memref<1x512x128xi32, #tpu.memory_space<hbm>> -> memref<512x128xi32, #tpu.memory_space<hbm>>
      %dma_wait3A_135 = arith.constant 0 : i32
      %dma_wait3A_136 = arith.constant 0 : i32
      %dma_wait3A_137 = tpu.memref_slice %arg4[%add3A, %dma_wait3A_135, %dma_wait3A_136] : memref<32x512x128xi32, #tpu.memory_space<hbm>> -> memref<1x512x128xi32, #tpu.memory_space<hbm>>
      %dma_wait3A_138 = tpu.memref_squeeze %dma_wait3A_137 : memref<1x512x128xi32, #tpu.memory_space<hbm>> -> memref<512x128xi32, #tpu.memory_space<hbm>>
      tpu.wait_dma2 semaphore(%run_scoped3A : memref<!tpu.dma_semaphore, #tpu.memory_space<semaphore_mem>>) src(%arg7 : memref<512x128xi32, #tpu.memory_space<vmem>>) dst(%dma_wait3A_138 : memref<512x128xi32, #tpu.memory_space<hbm>>)
      tpu.yield
    }) : () -> ()
    return
  }
}

module attributes {stable_mosaic.version = 14 : i64} {
  func.func @_select_body(%arg0: memref<32x512x128xi32, #tpu.memory_space<hbm>>, %arg1: memref<1x1xf32, #tpu.memory_space<vmem>>, %arg2: memref<32x512x128xi32, #tpu.memory_space<vmem>>, %arg3: memref<!tpu.dma_semaphore, #tpu.memory_space<semaphore_mem>>) attributes {dimension_semantics = [], scalar_prefetch = 0 : i64, scratch_operands = 2 : i64, tpu.core_type = #tpu.core_type<tc>} {
    tpu.enqueue_dma source(%arg0 : memref<32x512x128xi32, #tpu.memory_space<hbm>>) target(%arg2 : memref<32x512x128xi32, #tpu.memory_space<vmem>>) target_semaphore(%arg3 : memref<!tpu.dma_semaphore, #tpu.memory_space<semaphore_mem>>)
    tpu.wait_dma2 semaphore(%arg3 : memref<!tpu.dma_semaphore, #tpu.memory_space<semaphore_mem>>) src(%arg0 : memref<32x512x128xi32, #tpu.memory_space<hbm>>) dst(%arg2 : memref<32x512x128xi32, #tpu.memory_space<vmem>>)
    %get3A = arith.constant 0 : index
    %get3A_0 = arith.constant 0 : index
    %get3A_1 = arith.constant 0 : index
    %get3A_2 = vector.load %arg2[%get3A, %get3A_0, %get3A_1] : memref<32x512x128xi32, #tpu.memory_space<vmem>>, vector<1x512x128xi32>
    %get3A_3 = vector.shape_cast %get3A_2 : vector<1x512x128xi32> to vector<512x128xi32>
    %get3A_4 = arith.constant 1 : index
    %get3A_5 = arith.constant 0 : index
    %get3A_6 = arith.constant 0 : index
    %get3A_7 = vector.load %arg2[%get3A_4, %get3A_5, %get3A_6] : memref<32x512x128xi32, #tpu.memory_space<vmem>>, vector<1x512x128xi32>
    %get3A_8 = vector.shape_cast %get3A_7 : vector<1x512x128xi32> to vector<512x128xi32>
    %add3A = arith.addi %get3A_3, %get3A_8 : vector<512x128xi32>
    %get3A_9 = arith.constant 2 : index
    %get3A_10 = arith.constant 0 : index
    %get3A_11 = arith.constant 0 : index
    %get3A_12 = vector.load %arg2[%get3A_9, %get3A_10, %get3A_11] : memref<32x512x128xi32, #tpu.memory_space<vmem>>, vector<1x512x128xi32>
    %get3A_13 = vector.shape_cast %get3A_12 : vector<1x512x128xi32> to vector<512x128xi32>
    %add3A_14 = arith.addi %add3A, %get3A_13 : vector<512x128xi32>
    %get3A_15 = arith.constant 3 : index
    %get3A_16 = arith.constant 0 : index
    %get3A_17 = arith.constant 0 : index
    %get3A_18 = vector.load %arg2[%get3A_15, %get3A_16, %get3A_17] : memref<32x512x128xi32, #tpu.memory_space<vmem>>, vector<1x512x128xi32>
    %get3A_19 = vector.shape_cast %get3A_18 : vector<1x512x128xi32> to vector<512x128xi32>
    %add3A_20 = arith.addi %add3A_14, %get3A_19 : vector<512x128xi32>
    %get3A_21 = arith.constant 4 : index
    %get3A_22 = arith.constant 0 : index
    %get3A_23 = arith.constant 0 : index
    %get3A_24 = vector.load %arg2[%get3A_21, %get3A_22, %get3A_23] : memref<32x512x128xi32, #tpu.memory_space<vmem>>, vector<1x512x128xi32>
    %get3A_25 = vector.shape_cast %get3A_24 : vector<1x512x128xi32> to vector<512x128xi32>
    %add3A_26 = arith.addi %add3A_20, %get3A_25 : vector<512x128xi32>
    %get3A_27 = arith.constant 5 : index
    %get3A_28 = arith.constant 0 : index
    %get3A_29 = arith.constant 0 : index
    %get3A_30 = vector.load %arg2[%get3A_27, %get3A_28, %get3A_29] : memref<32x512x128xi32, #tpu.memory_space<vmem>>, vector<1x512x128xi32>
    %get3A_31 = vector.shape_cast %get3A_30 : vector<1x512x128xi32> to vector<512x128xi32>
    %add3A_32 = arith.addi %add3A_26, %get3A_31 : vector<512x128xi32>
    %get3A_33 = arith.constant 6 : index
    %get3A_34 = arith.constant 0 : index
    %get3A_35 = arith.constant 0 : index
    %get3A_36 = vector.load %arg2[%get3A_33, %get3A_34, %get3A_35] : memref<32x512x128xi32, #tpu.memory_space<vmem>>, vector<1x512x128xi32>
    %get3A_37 = vector.shape_cast %get3A_36 : vector<1x512x128xi32> to vector<512x128xi32>
    %add3A_38 = arith.addi %add3A_32, %get3A_37 : vector<512x128xi32>
    %get3A_39 = arith.constant 7 : index
    %get3A_40 = arith.constant 0 : index
    %get3A_41 = arith.constant 0 : index
    %get3A_42 = vector.load %arg2[%get3A_39, %get3A_40, %get3A_41] : memref<32x512x128xi32, #tpu.memory_space<vmem>>, vector<1x512x128xi32>
    %get3A_43 = vector.shape_cast %get3A_42 : vector<1x512x128xi32> to vector<512x128xi32>
    %add3A_44 = arith.addi %add3A_38, %get3A_43 : vector<512x128xi32>
    %get3A_45 = arith.constant 8 : index
    %get3A_46 = arith.constant 0 : index
    %get3A_47 = arith.constant 0 : index
    %get3A_48 = vector.load %arg2[%get3A_45, %get3A_46, %get3A_47] : memref<32x512x128xi32, #tpu.memory_space<vmem>>, vector<1x512x128xi32>
    %get3A_49 = vector.shape_cast %get3A_48 : vector<1x512x128xi32> to vector<512x128xi32>
    %add3A_50 = arith.addi %add3A_44, %get3A_49 : vector<512x128xi32>
    %get3A_51 = arith.constant 9 : index
    %get3A_52 = arith.constant 0 : index
    %get3A_53 = arith.constant 0 : index
    %get3A_54 = vector.load %arg2[%get3A_51, %get3A_52, %get3A_53] : memref<32x512x128xi32, #tpu.memory_space<vmem>>, vector<1x512x128xi32>
    %get3A_55 = vector.shape_cast %get3A_54 : vector<1x512x128xi32> to vector<512x128xi32>
    %add3A_56 = arith.addi %add3A_50, %get3A_55 : vector<512x128xi32>
    %get3A_57 = arith.constant 10 : index
    %get3A_58 = arith.constant 0 : index
    %get3A_59 = arith.constant 0 : index
    %get3A_60 = vector.load %arg2[%get3A_57, %get3A_58, %get3A_59] : memref<32x512x128xi32, #tpu.memory_space<vmem>>, vector<1x512x128xi32>
    %get3A_61 = vector.shape_cast %get3A_60 : vector<1x512x128xi32> to vector<512x128xi32>
    %add3A_62 = arith.addi %add3A_56, %get3A_61 : vector<512x128xi32>
    %get3A_63 = arith.constant 11 : index
    %get3A_64 = arith.constant 0 : index
    %get3A_65 = arith.constant 0 : index
    %get3A_66 = vector.load %arg2[%get3A_63, %get3A_64, %get3A_65] : memref<32x512x128xi32, #tpu.memory_space<vmem>>, vector<1x512x128xi32>
    %get3A_67 = vector.shape_cast %get3A_66 : vector<1x512x128xi32> to vector<512x128xi32>
    %add3A_68 = arith.addi %add3A_62, %get3A_67 : vector<512x128xi32>
    %get3A_69 = arith.constant 12 : index
    %get3A_70 = arith.constant 0 : index
    %get3A_71 = arith.constant 0 : index
    %get3A_72 = vector.load %arg2[%get3A_69, %get3A_70, %get3A_71] : memref<32x512x128xi32, #tpu.memory_space<vmem>>, vector<1x512x128xi32>
    %get3A_73 = vector.shape_cast %get3A_72 : vector<1x512x128xi32> to vector<512x128xi32>
    %add3A_74 = arith.addi %add3A_68, %get3A_73 : vector<512x128xi32>
    %get3A_75 = arith.constant 13 : index
    %get3A_76 = arith.constant 0 : index
    %get3A_77 = arith.constant 0 : index
    %get3A_78 = vector.load %arg2[%get3A_75, %get3A_76, %get3A_77] : memref<32x512x128xi32, #tpu.memory_space<vmem>>, vector<1x512x128xi32>
    %get3A_79 = vector.shape_cast %get3A_78 : vector<1x512x128xi32> to vector<512x128xi32>
    %add3A_80 = arith.addi %add3A_74, %get3A_79 : vector<512x128xi32>
    %get3A_81 = arith.constant 14 : index
    %get3A_82 = arith.constant 0 : index
    %get3A_83 = arith.constant 0 : index
    %get3A_84 = vector.load %arg2[%get3A_81, %get3A_82, %get3A_83] : memref<32x512x128xi32, #tpu.memory_space<vmem>>, vector<1x512x128xi32>
    %get3A_85 = vector.shape_cast %get3A_84 : vector<1x512x128xi32> to vector<512x128xi32>
    %add3A_86 = arith.addi %add3A_80, %get3A_85 : vector<512x128xi32>
    %get3A_87 = arith.constant 15 : index
    %get3A_88 = arith.constant 0 : index
    %get3A_89 = arith.constant 0 : index
    %get3A_90 = vector.load %arg2[%get3A_87, %get3A_88, %get3A_89] : memref<32x512x128xi32, #tpu.memory_space<vmem>>, vector<1x512x128xi32>
    %get3A_91 = vector.shape_cast %get3A_90 : vector<1x512x128xi32> to vector<512x128xi32>
    %add3A_92 = arith.addi %add3A_86, %get3A_91 : vector<512x128xi32>
    %get3A_93 = arith.constant 16 : index
    %get3A_94 = arith.constant 0 : index
    %get3A_95 = arith.constant 0 : index
    %get3A_96 = vector.load %arg2[%get3A_93, %get3A_94, %get3A_95] : memref<32x512x128xi32, #tpu.memory_space<vmem>>, vector<1x512x128xi32>
    %get3A_97 = vector.shape_cast %get3A_96 : vector<1x512x128xi32> to vector<512x128xi32>
    %add3A_98 = arith.addi %add3A_92, %get3A_97 : vector<512x128xi32>
    %get3A_99 = arith.constant 17 : index
    %get3A_100 = arith.constant 0 : index
    %get3A_101 = arith.constant 0 : index
    %get3A_102 = vector.load %arg2[%get3A_99, %get3A_100, %get3A_101] : memref<32x512x128xi32, #tpu.memory_space<vmem>>, vector<1x512x128xi32>
    %get3A_103 = vector.shape_cast %get3A_102 : vector<1x512x128xi32> to vector<512x128xi32>
    %add3A_104 = arith.addi %add3A_98, %get3A_103 : vector<512x128xi32>
    %get3A_105 = arith.constant 18 : index
    %get3A_106 = arith.constant 0 : index
    %get3A_107 = arith.constant 0 : index
    %get3A_108 = vector.load %arg2[%get3A_105, %get3A_106, %get3A_107] : memref<32x512x128xi32, #tpu.memory_space<vmem>>, vector<1x512x128xi32>
    %get3A_109 = vector.shape_cast %get3A_108 : vector<1x512x128xi32> to vector<512x128xi32>
    %add3A_110 = arith.addi %add3A_104, %get3A_109 : vector<512x128xi32>
    %get3A_111 = arith.constant 19 : index
    %get3A_112 = arith.constant 0 : index
    %get3A_113 = arith.constant 0 : index
    %get3A_114 = vector.load %arg2[%get3A_111, %get3A_112, %get3A_113] : memref<32x512x128xi32, #tpu.memory_space<vmem>>, vector<1x512x128xi32>
    %get3A_115 = vector.shape_cast %get3A_114 : vector<1x512x128xi32> to vector<512x128xi32>
    %add3A_116 = arith.addi %add3A_110, %get3A_115 : vector<512x128xi32>
    %get3A_117 = arith.constant 20 : index
    %get3A_118 = arith.constant 0 : index
    %get3A_119 = arith.constant 0 : index
    %get3A_120 = vector.load %arg2[%get3A_117, %get3A_118, %get3A_119] : memref<32x512x128xi32, #tpu.memory_space<vmem>>, vector<1x512x128xi32>
    %get3A_121 = vector.shape_cast %get3A_120 : vector<1x512x128xi32> to vector<512x128xi32>
    %add3A_122 = arith.addi %add3A_116, %get3A_121 : vector<512x128xi32>
    %get3A_123 = arith.constant 21 : index
    %get3A_124 = arith.constant 0 : index
    %get3A_125 = arith.constant 0 : index
    %get3A_126 = vector.load %arg2[%get3A_123, %get3A_124, %get3A_125] : memref<32x512x128xi32, #tpu.memory_space<vmem>>, vector<1x512x128xi32>
    %get3A_127 = vector.shape_cast %get3A_126 : vector<1x512x128xi32> to vector<512x128xi32>
    %add3A_128 = arith.addi %add3A_122, %get3A_127 : vector<512x128xi32>
    %get3A_129 = arith.constant 22 : index
    %get3A_130 = arith.constant 0 : index
    %get3A_131 = arith.constant 0 : index
    %get3A_132 = vector.load %arg2[%get3A_129, %get3A_130, %get3A_131] : memref<32x512x128xi32, #tpu.memory_space<vmem>>, vector<1x512x128xi32>
    %get3A_133 = vector.shape_cast %get3A_132 : vector<1x512x128xi32> to vector<512x128xi32>
    %add3A_134 = arith.addi %add3A_128, %get3A_133 : vector<512x128xi32>
    %get3A_135 = arith.constant 23 : index
    %get3A_136 = arith.constant 0 : index
    %get3A_137 = arith.constant 0 : index
    %get3A_138 = vector.load %arg2[%get3A_135, %get3A_136, %get3A_137] : memref<32x512x128xi32, #tpu.memory_space<vmem>>, vector<1x512x128xi32>
    %get3A_139 = vector.shape_cast %get3A_138 : vector<1x512x128xi32> to vector<512x128xi32>
    %add3A_140 = arith.addi %add3A_134, %get3A_139 : vector<512x128xi32>
    %get3A_141 = arith.constant 24 : index
    %get3A_142 = arith.constant 0 : index
    %get3A_143 = arith.constant 0 : index
    %get3A_144 = vector.load %arg2[%get3A_141, %get3A_142, %get3A_143] : memref<32x512x128xi32, #tpu.memory_space<vmem>>, vector<1x512x128xi32>
    %get3A_145 = vector.shape_cast %get3A_144 : vector<1x512x128xi32> to vector<512x128xi32>
    %add3A_146 = arith.addi %add3A_140, %get3A_145 : vector<512x128xi32>
    %get3A_147 = arith.constant 25 : index
    %get3A_148 = arith.constant 0 : index
    %get3A_149 = arith.constant 0 : index
    %get3A_150 = vector.load %arg2[%get3A_147, %get3A_148, %get3A_149] : memref<32x512x128xi32, #tpu.memory_space<vmem>>, vector<1x512x128xi32>
    %get3A_151 = vector.shape_cast %get3A_150 : vector<1x512x128xi32> to vector<512x128xi32>
    %add3A_152 = arith.addi %add3A_146, %get3A_151 : vector<512x128xi32>
    %get3A_153 = arith.constant 26 : index
    %get3A_154 = arith.constant 0 : index
    %get3A_155 = arith.constant 0 : index
    %get3A_156 = vector.load %arg2[%get3A_153, %get3A_154, %get3A_155] : memref<32x512x128xi32, #tpu.memory_space<vmem>>, vector<1x512x128xi32>
    %get3A_157 = vector.shape_cast %get3A_156 : vector<1x512x128xi32> to vector<512x128xi32>
    %add3A_158 = arith.addi %add3A_152, %get3A_157 : vector<512x128xi32>
    %get3A_159 = arith.constant 27 : index
    %get3A_160 = arith.constant 0 : index
    %get3A_161 = arith.constant 0 : index
    %get3A_162 = vector.load %arg2[%get3A_159, %get3A_160, %get3A_161] : memref<32x512x128xi32, #tpu.memory_space<vmem>>, vector<1x512x128xi32>
    %get3A_163 = vector.shape_cast %get3A_162 : vector<1x512x128xi32> to vector<512x128xi32>
    %add3A_164 = arith.addi %add3A_158, %get3A_163 : vector<512x128xi32>
    %get3A_165 = arith.constant 28 : index
    %get3A_166 = arith.constant 0 : index
    %get3A_167 = arith.constant 0 : index
    %get3A_168 = vector.load %arg2[%get3A_165, %get3A_166, %get3A_167] : memref<32x512x128xi32, #tpu.memory_space<vmem>>, vector<1x512x128xi32>
    %get3A_169 = vector.shape_cast %get3A_168 : vector<1x512x128xi32> to vector<512x128xi32>
    %add3A_170 = arith.addi %add3A_164, %get3A_169 : vector<512x128xi32>
    %get3A_171 = arith.constant 29 : index
    %get3A_172 = arith.constant 0 : index
    %get3A_173 = arith.constant 0 : index
    %get3A_174 = vector.load %arg2[%get3A_171, %get3A_172, %get3A_173] : memref<32x512x128xi32, #tpu.memory_space<vmem>>, vector<1x512x128xi32>
    %get3A_175 = vector.shape_cast %get3A_174 : vector<1x512x128xi32> to vector<512x128xi32>
    %add3A_176 = arith.addi %add3A_170, %get3A_175 : vector<512x128xi32>
    %get3A_177 = arith.constant 30 : index
    %get3A_178 = arith.constant 0 : index
    %get3A_179 = arith.constant 0 : index
    %get3A_180 = vector.load %arg2[%get3A_177, %get3A_178, %get3A_179] : memref<32x512x128xi32, #tpu.memory_space<vmem>>, vector<1x512x128xi32>
    %get3A_181 = vector.shape_cast %get3A_180 : vector<1x512x128xi32> to vector<512x128xi32>
    %add3A_182 = arith.addi %add3A_176, %get3A_181 : vector<512x128xi32>
    %get3A_183 = arith.constant 31 : index
    %get3A_184 = arith.constant 0 : index
    %get3A_185 = arith.constant 0 : index
    %get3A_186 = vector.load %arg2[%get3A_183, %get3A_184, %get3A_185] : memref<32x512x128xi32, #tpu.memory_space<vmem>>, vector<1x512x128xi32>
    %get3A_187 = vector.shape_cast %get3A_186 : vector<1x512x128xi32> to vector<512x128xi32>
    %add3A_188 = arith.addi %add3A_182, %get3A_187 : vector<512x128xi32>
    %convert_element_type3A = arith.sitofp %add3A_188 : vector<512x128xi32> to vector<512x128xf32>
    %iota3A = tpu.iota {dimensions = array<i32: 0>} : vector<128x128xi32>
    %iota3A_189 = tpu.iota {dimensions = array<i32: 1>} : vector<128x128xi32>
    %ge3A = arith.cmpi sge, %iota3A, %iota3A_189 : vector<128x128xi32>
    %convert_element_type3A_190 = arith.extui %ge3A : vector<128x128xi1> to vector<128x128xi32>
    %convert_element_type3A_191 = arith.sitofp %convert_element_type3A_190 : vector<128x128xi32> to vector<128x128xf32>
    %dot_general3A = arith.constant dense<0.000000e+00> : vector<512x128xf32>
    %dot_general3A_192 = tpu.matmul %convert_element_type3A, %convert_element_type3A_191, %dot_general3A {dimension_numbers = #tpu.dot_dimension_numbers<[1], [0], [0], [1], [0, 0, 1, 1], [], []>, transpose_lhs_hint = false} : vector<512x128xf32>, vector<128x128xf32>, vector<512x128xf32> -> vector<512x128xf32>
    %iota3A_193 = tpu.iota {dimensions = array<i32: 0>} : vector<512x512xi32>
    %iota3A_194 = tpu.iota {dimensions = array<i32: 1>} : vector<512x512xi32>
    %gt3A = arith.cmpi sgt, %iota3A_194, %iota3A_193 : vector<512x512xi32>
    %convert_element_type3A_195 = arith.extui %gt3A : vector<512x512xi1> to vector<512x512xi32>
    %convert_element_type3A_196 = arith.sitofp %convert_element_type3A_195 : vector<512x512xi32> to vector<512x512xf32>
    %dot_general3A_197 = arith.constant dense<0.000000e+00> : vector<512x128xf32>
    %dot_general3A_198 = tpu.matmul %convert_element_type3A_196, %dot_general3A_192, %dot_general3A_197 {dimension_numbers = #tpu.dot_dimension_numbers<[1], [0], [0], [1], [0, 0, 1, 1], [], []>, transpose_lhs_hint = false} : vector<512x512xf32>, vector<512x128xf32>, vector<512x128xf32> -> vector<512x128xf32>
    %slice3A = vector.extract_strided_slice %dot_general3A_198 {offsets = [0, 0], sizes = [512, 1], strides = [1, 1]} : vector<512x128xf32> to vector<512x1xf32>
    %add3A_199 = vector.broadcast %slice3A : vector<512x1xf32> to vector<512x128xf32>
    %add3A_200 = arith.addf %dot_general3A_192, %add3A_199 : vector<512x128xf32>
    %iota3A_201 = tpu.iota {dimensions = array<i32: 0>} : vector<512x128xi32>
    %iota3A_202 = tpu.iota {dimensions = array<i32: 1>} : vector<512x128xi32>
    %mul3A = arith.constant 128 : i32
    %mul3A_203 = vector.broadcast %mul3A : i32 to vector<512x128xi32>
    %mul3A_204 = arith.muli %iota3A_201, %mul3A_203 : vector<512x128xi32>
    %add3A_205 = arith.addi %mul3A_204, %iota3A_202 : vector<512x128xi32>
    %ge3A_206 = arith.constant 0x49CCCCC8 : f32
    %ge3A_207 = vector.broadcast %ge3A_206 : f32 to vector<512x128xf32>
    %ge3A_208 = arith.cmpf oge, %add3A_200, %ge3A_207 : vector<512x128xf32>
    %jit3A = arith.constant -1 : i32
    %broadcast_in_dim3A = vector.broadcast %jit3A : i32 to vector<512x128xi32>
    %select_n3A = arith.select %ge3A_208, %add3A_205, %broadcast_in_dim3A : vector<512x128xi1>, vector<512x128xi32>
    %reduce_max3A = vector.shape_cast %select_n3A : vector<512x128xi32> to vector<1x512x128xi32>
    %reduce_max3A_209 = arith.constant dense<-2147483648> : vector<1xi32>
    %reduce_max3A_210 = vector.multi_reduction <maxsi>, %reduce_max3A, %reduce_max3A_209 [1, 2] : vector<1x512x128xi32> to vector<1xi32>
    %reduce_max3A_211 = vector.shape_cast %reduce_max3A_210 : vector<1xi32> to vector<1x1x1xi32>
    %reduce_max3A_212 = vector.extract %reduce_max3A_211[0, 0, 0] : i32 from vector<1x1x1xi32>
    %eq3A = vector.broadcast %reduce_max3A_212 : i32 to vector<512x128xi32>
    %eq3A_213 = arith.cmpi eq, %add3A_205, %eq3A : vector<512x128xi32>
    %jit3A_214 = arith.constant 0.000000e+00 : f32
    %broadcast_in_dim3A_215 = vector.broadcast %jit3A_214 : f32 to vector<512x128xf32>
    %select_n3A_216 = arith.select %eq3A_213, %convert_element_type3A, %broadcast_in_dim3A_215 : vector<512x128xi1>, vector<512x128xf32>
    %reduce_sum3A = vector.shape_cast %select_n3A_216 : vector<512x128xf32> to vector<1x512x128xf32>
    %reduce_sum3A_217 = arith.constant dense<0.000000e+00> : vector<1xf32>
    %reduce_sum3A_218 = vector.multi_reduction <add>, %reduce_sum3A, %reduce_sum3A_217 [1, 2] : vector<1x512x128xf32> to vector<1xf32>
    %reduce_sum3A_219 = vector.shape_cast %reduce_sum3A_218 : vector<1xf32> to vector<1x1x1xf32>
    %reduce_sum3A_220 = vector.extract %reduce_sum3A_219[0, 0, 0] : f32 from vector<1x1x1xf32>
    %eq3A_221 = vector.broadcast %reduce_max3A_212 : i32 to vector<512x128xi32>
    %eq3A_222 = arith.cmpi eq, %add3A_205, %eq3A_221 : vector<512x128xi32>
    %jit3A_223 = arith.constant 0.000000e+00 : f32
    %broadcast_in_dim3A_224 = vector.broadcast %jit3A_223 : f32 to vector<512x128xf32>
    %select_n3A_225 = arith.select %eq3A_222, %add3A_200, %broadcast_in_dim3A_224 : vector<512x128xi1>, vector<512x128xf32>
    %reduce_sum3A_226 = vector.shape_cast %select_n3A_225 : vector<512x128xf32> to vector<1x512x128xf32>
    %reduce_sum3A_227 = arith.constant dense<0.000000e+00> : vector<1xf32>
    %reduce_sum3A_228 = vector.multi_reduction <add>, %reduce_sum3A_226, %reduce_sum3A_227 [1, 2] : vector<1x512x128xf32> to vector<1xf32>
    %reduce_sum3A_229 = vector.shape_cast %reduce_sum3A_228 : vector<1xf32> to vector<1x1x1xf32>
    %reduce_sum3A_230 = vector.extract %reduce_sum3A_229[0, 0, 0] : f32 from vector<1x1x1xf32>
    %sub3A = arith.subf %reduce_sum3A_230, %reduce_sum3A_220 : f32
    %sub3A_231 = arith.constant 0x49CCCCC8 : f32
    %sub3A_232 = arith.subf %sub3A_231, %sub3A : f32
    %jit3A_233 = arith.constant 0.000000e+00 : f32
    %max3A = arith.maximumf %jit3A_233, %sub3A_232 : f32
    %min3A = arith.minimumf %reduce_sum3A_220, %max3A : f32
    %shift_left3A = arith.constant 16 : i32
    %shift_left3A_234 = vector.broadcast %shift_left3A : i32 to vector<512x128xi32>
    %shift_left3A_235 = arith.shli %add3A_205, %shift_left3A_234 : vector<512x128xi32>
    %add3A_236 = arith.constant 32768 : i32
    %add3A_237 = vector.broadcast %add3A_236 : i32 to vector<512x128xi32>
    %add3A_238 = arith.addi %shift_left3A_235, %add3A_237 : vector<512x128xi32>
    %bitcast_convert_type3A = tpu.bitcast %add3A_238 : vector<512x128xi32> -> vector<512x128xf32>
    %gt3A_239 = vector.broadcast %reduce_max3A_212 : i32 to vector<512x128xi32>
    %gt3A_240 = arith.cmpi sgt, %add3A_205, %gt3A_239 : vector<512x128xi32>
    %gt3A_241 = arith.constant 0 : i32
    %gt3A_242 = vector.broadcast %gt3A_241 : i32 to vector<512x128xi32>
    %gt3A_243 = arith.cmpi sgt, %add3A_188, %gt3A_242 : vector<512x128xi32>
    %and3A = arith.andi %gt3A_240, %gt3A_243 : vector<512x128xi1>
    %mul3A_244 = arith.mulf %convert_element_type3A, %bitcast_convert_type3A : vector<512x128xf32>
    %jit3A_245 = arith.constant 0.000000e+00 : f32
    %broadcast_in_dim3A_246 = vector.broadcast %jit3A_245 : f32 to vector<512x128xf32>
    %select_n3A_247 = arith.select %and3A, %mul3A_244, %broadcast_in_dim3A_246 : vector<512x128xi1>, vector<512x128xf32>
    %eq3A_248 = vector.broadcast %reduce_max3A_212 : i32 to vector<512x128xi32>
    %eq3A_249 = arith.cmpi eq, %add3A_205, %eq3A_248 : vector<512x128xi32>
    %jit3A_250 = arith.constant 0.000000e+00 : f32
    %broadcast_in_dim3A_251 = vector.broadcast %jit3A_250 : f32 to vector<512x128xf32>
    %select_n3A_252 = arith.select %eq3A_249, %bitcast_convert_type3A, %broadcast_in_dim3A_251 : vector<512x128xi1>, vector<512x128xf32>
    %reduce_sum3A_253 = vector.shape_cast %select_n3A_252 : vector<512x128xf32> to vector<1x512x128xf32>
    %reduce_sum3A_254 = arith.constant dense<0.000000e+00> : vector<1xf32>
    %reduce_sum3A_255 = vector.multi_reduction <add>, %reduce_sum3A_253, %reduce_sum3A_254 [1, 2] : vector<1x512x128xf32> to vector<1xf32>
    %reduce_sum3A_256 = vector.shape_cast %reduce_sum3A_255 : vector<1xf32> to vector<1x1x1xf32>
    %reduce_sum3A_257 = vector.extract %reduce_sum3A_256[0, 0, 0] : f32 from vector<1x1x1xf32>
    %reduce_sum3A_258 = vector.shape_cast %select_n3A_247 : vector<512x128xf32> to vector<1x512x128xf32>
    %reduce_sum3A_259 = arith.constant dense<0.000000e+00> : vector<1xf32>
    %reduce_sum3A_260 = vector.multi_reduction <add>, %reduce_sum3A_258, %reduce_sum3A_259 [1, 2] : vector<1x512x128xf32> to vector<1xf32>
    %reduce_sum3A_261 = vector.shape_cast %reduce_sum3A_260 : vector<1xf32> to vector<1x1x1xf32>
    %reduce_sum3A_262 = vector.extract %reduce_sum3A_261[0, 0, 0] : f32 from vector<1x1x1xf32>
    %mul3A_263 = arith.mulf %min3A, %reduce_sum3A_257 : f32
    %add3A_264 = arith.addf %reduce_sum3A_262, %mul3A_263 : f32
    %div3A = arith.constant 0x49CCCCC8 : f32
    %div3A_265 = arith.divf %add3A_264, %div3A : f32
    %reshape3A = vector.broadcast %div3A_265 : f32 to vector<1x1xf32>
    %swap3A = arith.constant 0 : index
    %swap3A_266 = arith.constant 0 : index
    %swap3A_267 = vector.load %arg1[%swap3A, %swap3A_266] : memref<1x1xf32, #tpu.memory_space<vmem>>, vector<1x1xf32>
    tpu.vector_store %arg1[%swap3A, %swap3A_266], %reshape3A {strides = array<i32>} : memref<1x1xf32, #tpu.memory_space<vmem>>, vector<1x1xf32>,
    return
  }
}

</mosaic_0001>

<sc_bundles>
// kernel: kernel.4.cloned.1.call-start
scs
__scs_entry_jumppad:
0x0: {  	(pc) =	sbr.rel $0x88, $3  }
0x1: {  	(tag) =	ssettag $0x0;
	lr =	simm.s32 $0x1  }
0x2: {  	[smem:$0x3F9F] =	sst lr;
	_ =	strace $0xD0000000  }
0x3: {  	_ = 	snop  }
0x4: {  	_ = 	snop  }
0x5: {  	_ = 	snop  }
0x6: {  	_ = 	snop  }
0x7: {  	_ = 	snop  }
__scs_overlays_trampoline_lowered:
0x8: {  	[smem:$0x3FAE] =	sst s0  }
0x9: {  	[smem:$0x3FAF] =	sst s1  }
0xa: {  	[smem:$0x3FB0] =	sst s2  }
0xb: {  	[smem:$0x3FB1] =	sst s3  }
0xc: {  	[smem:$0x3FB2] =	sst s4  }
0xd: {  	[smem:$0x3FB3] =	sst s5  }
0xe: {  	[smem:$0x3FB4] =	sst s6  }
0xf: {  	[smem:$0x3FB5] =	sst s7  }
0x10: {  	[smem:$0x3FB6] =	sst s8  }
0x11: {  	[smem:$0x3FB7] =	sst s9;
	s0 =	simm.s32 @!p0 $0x0  }
0x12: {  	s1 =	sld [smem:$0x3F9D];
	s0 =	simm.s32 @p0 $0x1  }
0x13: {  	[smem:$0x3FB8] =	sst s0;
	s0 =	simm.s32 @!p1 $0x0  }
0x14: {  	s2 =	sld [smem:$0x3F9C];
	s0 =	simm.s32 @p1 $0x1  }
0x15: {  	[smem:$0x3FB9] =	sst s0;
	s0 =	simm.s32 @!p2 $0x0  }
0x16: {  	s3 =	sld [smem:$0x3FDB];
	s0 =	simm.s32 @p2 $0x1  }
0x17: {  	s4 =	simm.s32 $0x1BF5;
	[smem:$0x3FBB] =	sst s0  }
0x18: {  	s0 =	sld [smem:$0x3F9E];
	_ =	swait.ge [sflag:s4], $0x0  }
0x19: {  	s7 =	sld [smem:$0x3F9F]  }
0x1a: {  	s8 =	sadd.s32 $0xFFFFE003, lr  }
0x1b: {  	s9 =	sadd.s32 $0xFFFFFEF7, lr;
	s5 =	simm.s32 $0xFFFFFFFF;
	p2 =	slt.u32 s8, $0xFFFFF086  }
0x1c: {  	p1 =	slt.u32 s9, $0xF7A;
	s5 =	simm.s32 @!p2 $0x0  }
0x1d: {  	s5 =	simm.s32 @p1 $0x1;
	p0 =	seq.s32 s7, s2  }
0x1e: {  	s7 =	smul.u32 @!p0 $0xF7A, s2;
	p2 =	seq.s32 @!p0 s5, $0x0  }
0x1f: {  	s9 =	smul.u32 $0xF7A, s1;
	s8 =	simm.s32 @!p0 $0x1BF5;
	p2 =	por !p2, p0  }
0x20: {  	[sflag:s8] =	ssyncset.s32 @!p0 $0xFFFFF086;
	s6 =	sadd.s32 @!p0 s3, s7;
	s7 =	simm.s32 @!p0 $0x108  }
0x21: {  	s3 =	sadd.s32 s3, s9;
	s6 =	sadd.s32 @!p0 $0x88, s6;
	s7 =	simm.s32 @p2 $0x1082  }
0x22: {  	[simem:s7], [sflag:s8] =	dma.local @!p0 [hbm:s6], $0xF7A  }
0x23: {  	s9 =	sor.u32 $0xD0000000, s2;
	s6 =	simm.s32 $0x108;
	_ =	swait.ge @!p0 [sflag:s8], $0x0  }
0x24: {  	s3 =	sadd.s32 $0x88, s3;
	s6 =	simm.s32 @!p1 $0x1082;
	[sflag:s4] =	ssyncset.s32 $0xFFFFF086  }
0x25: {  	[simem:s6], [sflag:s4] =	dma.local [hbm:s3], $0xF7A  }
0x26: {  	[smem:$0x3F9F] =	sst s1;
	(tag) =	ssettag s2;
	_ =	strace s9  }
0x27: {  	s1 =	sld [smem:$0x3FAF]  }
0x28: {  	s2 =	sld [smem:$0x3FB0]  }
0x29: {  	s4 =	sld [smem:$0x3FB2]  }
0x2a: {  	p0 =	seq.s32 s5, $0x0;
	s5 =	sld [smem:$0x3FB3]  }
0x2b: {  	s6 =	sld [smem:$0x3FB4]  }
0x2c: {  	s7 =	sld [smem:$0x3FB5]  }
0x2d: {  	s3 =	simm.s32 $0x108;
	s8 =	sld [smem:$0x3FB6]  }
0x2e: {  	s3 =	simm.s32 @!p0 $0x1082;
	s9 =	sld [smem:$0x3FB7]  }
0x2f: {  	lr =	sadd.s32 s0, s3;
	s0 =	sld [smem:$0x3FAE]  }
0x30: {  	s3 =	sld [smem:$0x3FB1]  }
0x31: {  	[smem:$0x3FBA] =	sst s10  }
0x32: {  	s10 =	sld [smem:$0x3FB8];
	_ =	sdelay $0x3  }
0x33: {  	p0 =	seq.s32 s10, $0x1;
	s10 =	sld [smem:$0x3FBA];
	_ =	sdelay $0x3  }
0x34: {  	[smem:$0x3FBA] =	sst s10  }
0x35: {  	s10 =	sld [smem:$0x3FB9];
	_ =	sdelay $0x3  }
0x36: {  	p1 =	seq.s32 s10, $0x1;
	s10 =	sld [smem:$0x3FBA];
	_ =	sdelay $0x3  }
0x37: {  	[smem:$0x3FBA] =	sst s10  }
0x38: {  	s10 =	sld [smem:$0x3FBB]  }
0x39: {  	_ = 	snop;
	(pc) =	sbr.ind lr, $3  }
0x3a: {  	_ = 	snop  }
0x3b: {  	_ = 	snop  }
0x3c: {  	p2 =	seq.s32 s10, $0x1;
	s10 =	sld [smem:$0x3FBA]  }
0x3d: {  	_ =	shalt  }
0x3e: {  	_ =	shalt  }
0x3f: {  	_ =	shalt  }
0x40: {  	_ =	shalt  }
0x41: {  	_ =	shalt  }
0x42: {  	_ =	shalt  }
0x43: {  	_ =	shalt  }
0x44: {  	_ =	shalt  }
0x45: {  	_ =	shalt  }
0x46: {  	_ =	shalt  }
0x47: {  	_ =	shalt  }
0x48: {  	_ =	shalt  }
0x49: {  	_ =	shalt  }
0x4a: {  	_ =	shalt  }
0x4b: {  	_ =	shalt  }
0x4c: {  	_ =	shalt  }
0x4d: {  	_ =	shalt  }
0x4e: {  	_ =	shalt  }
0x4f: {  	_ =	shalt  }
0x50: {  	_ =	shalt  }
0x51: {  	_ =	shalt  }
0x52: {  	_ =	shalt  }
0x53: {  	_ =	shalt  }
0x54: {  	_ =	shalt  }
0x55: {  	_ =	shalt  }
0x56: {  	_ =	shalt  }
0x57: {  	_ =	shalt  }
0x58: {  	_ =	shalt  }
0x59: {  	_ =	shalt  }
0x5a: {  	_ =	shalt  }
0x5b: {  	_ =	shalt  }
0x5c: {  	_ =	shalt  }
0x5d: {  	_ =	shalt  }
0x5e: {  	_ =	shalt  }
0x5f: {  	_ =	shalt  }
0x60: {  	_ =	shalt  }
0x61: {  	_ =	shalt  }
0x62: {  	_ =	shalt  }
0x63: {  	_ =	shalt  }
0x64: {  	_ =	shalt  }
0x65: {  	_ =	shalt  }
0x66: {  	_ =	shalt  }
0x67: {  	_ =	shalt  }
0x68: {  	_ =	shalt  }
0x69: {  	_ =	shalt  }
0x6a: {  	_ =	shalt  }
0x6b: {  	_ =	shalt  }
0x6c: {  	_ =	shalt  }
0x6d: {  	_ =	shalt  }
0x6e: {  	_ =	shalt  }
0x6f: {  	_ =	shalt  }
0x70: {  	_ =	shalt  }
0x71: {  	_ =	shalt  }
0x72: {  	_ =	shalt  }
0x73: {  	_ =	shalt  }
0x74: {  	_ =	shalt  }
0x75: {  	_ =	shalt  }
0x76: {  	_ =	shalt  }
0x77: {  	_ =	shalt  }
0x78: {  	_ =	shalt  }
0x79: {  	_ =	shalt  }
0x7a: {  	_ =	shalt  }
0x7b: {  	_ =	shalt  }
0x7c: {  	_ =	shalt  }
0x7d: {  	_ =	shalt  }
0x7e: {  	_ =	shalt  }
0x7f: {  	_ =	shalt  }
0x80: {  	_ =	shalt  }
0x81: {  	_ =	shalt  }
0x82: {  	_ =	shalt  }
0x83: {  	_ =	shalt  }
0x84: {  	_ =	shalt  }
0x85: {  	_ =	shalt  }
0x86: {  	_ =	shalt  }
0x87: {  	_ =	shalt  }
.Lfunc_end0:
.L_simem_size_0:
called_computation_lowered:
.L_overlay_start_0:
0x88: {  	s2 =	sld [smem:$0x3FD9]  }
0x89: {  	s3 =	sld [smem:$0x3FFE];
	_ =	sdelay $0x1  }
0x8a: {  	s1 =	srdreg.scid  }
0x8b: {  	s0 =	sand.u32 $0x1, s1  }
0x8c: {  	s17 =	sshll.u32 s0, $0xA;
	s2 =	sadd.s32 s3, s2  }
0x8d: {  	s2 =	sadd.s32 s2, s17  }
0x8e: {  	[smem:$0x3FC6] =	sst s2  }
0x8f: {  	_ = 	snop  }
0x90: {  	s2 =	sld [smem:$0x3FC9]  }
0x91: {  	s18 =	sld [smem:$0x3FC8];
	(tm) =	ssettm $0x1  }
0x92: {  	s4 =	sld [smem:$0x3FFB];
	_ =	sdelay $0x3  }
0x93: {  	_ =	strace s4  }
0x94: {  	s4 =	sld [smem:$0x3FFC];
	_ =	sdelay $0x3  }
0x95: {  	_ =	strace s4  }
0x96: {  	s4 =	sld [smem:$0x3FFD];
	_ =	sdelay $0x3  }
0x97: {  	_ =	strace s4  }
0x98: {  	_ =	strace $0x8FFFFFFF  }
0x99: {  	s19 =	sld [smem:$0x3FDB];
	_ =	sdelay $0x1  }
0x9a: {  	s5 =	simm.s32 $_scs_section_size  }
0x9b: {  	s6 =	simm.s32 $_size__tile_overlayer_lowered;
	s7 =	simm.s32 $_tile_overlayer_lowered  }
0x9c: {  	s22 =	simm.s32 $0x1BFF;
	s21 =	sshll.u32 s7, $0x1;
	s4 =	sadd.s32 s5, s19  }
0x9d: {  	s8 =	simm.s32 $0x0;
	s20 =	sshll.u32 s6, $0x1;
	s6 =	sadd.s32 s21, s4  }
0x9e: {  	[timem:s8], [sflag:s22] =	dma.local [hbm:s6], s20  }
0x9f: {  	_ =	swait.ge [sflag:s22], s20  }
0xa0: {  	s5 =	ssub.s32 $0x0, s20;
	[sflag:s22] =	ssyncset.done $0x0  }
0xa1: {  	[sflag:s22] =	ssyncadd.s32 s5;
	_ =	sdelay $0x1  }
0xa2: {  	s23 =	simm.s32 $0x1B8B  }
0xa3: {  	_ =	swait.ge [sflag:s23], $0x1  }
0xa4: {  	[sflag:s23] =	ssyncset.done $0x0  }
0xa5: {  	s25 =	simm.s32 $0x1B8E;
	s24 =	sld [smem:$0x3FFE];
	[sflag:s23] =	ssyncadd.s32 $0xFFFFFFFF  }
0xa6: {  	s26 =	simm.s32 $execute0_lowered;
	[smem:$0x3FD2] =	sst s25  }
0xa7: {  	s6 =	sshll.u32 s26, $0x1;
	_ =	strace $0x80000046;
	[dreg:$0x1] =	wrdreg $0xFFFFFFFF  }
0xa8: {  	s28 =	simm.s32 $_size_execute0_lowered;
	s4 =	sadd.s32 s4, s6;
	[dreg:$0x0] =	wrdreg $0x0  }
0xa9: {  	s6 =	sshll.u32 s28, $0x1;
	[dreg:$0x2] =	wrdreg s4  }
0xaa: {  	[dreg:$0x3] =	wrdreg s6  }
0xab: {  	[dreg:$0x4] =	wrdreg $0xC0  }
0xac: {  	_ =	task [dreg:s8], $0x5FFFF  }
0xad: {  	[dreg:$0x1] =	wrdreg $0xFFFFFFFF  }
0xae: {  	[dreg:$0x0] =	wrdreg $0x60  }
0xaf: {  	[dreg:$0x2] =	wrdreg s2  }
0xb0: {  	[dreg:$0x3] =	wrdreg s18  }
0xb1: {  	[dreg:$0x4] =	wrdreg s24  }
0xb2: {  	[dreg:$0x5] =	wrdreg $0x9  }
0xb3: {  	_ =	task.clear_ibuf [dreg:s8], $0x6FFFF;
	_ =	strace $0x90000046  }
0xb4: {  	s29 =	simm.s32 $0x9;
	_ =	strace $0x80000048  }
0xb5: {  	_ =	swait.ge [sflag:s29], $0x1  }
0xb6: {  	[sflag:s29] =	ssyncadd.s32 $0xFFFFFFFF  }
0xb7: {  	_ =	strace $0x90000048  }
0xb8: {  	_ =	sfence  }
0xb9: {  	s30 =	sld [smem:$0x0];
	_ =	sdelay $0x2  }
0xba: {  	s31 =	sshll.u32 s1, $0xD;
	s1 =	sshrl.u32 s1, $0x2  }
0xbb: {  	s3 =	sand.u32 $0x4000, s31;
	s1 =	sadd.s32 s1, s30  }
0xbc: {  	s0 =	sor.u32 s3, s0;
	s1 =	sshll.u32 s1, $0x11  }
0xbd: {  	s0 =	sor.u32 s1, s0  }
0xbe: {  	s0 =	sadd.s32 $0x8F2B, s0  }
0xbf: {  	[sflag:s0] =	ssyncadd.remote.s32 $0x1  }
0xc0: {  	_ =	sfence.sel $0xFFFF  }
0xc1: {  	[dreg:$0x0] =	wrdreg $0xFFFFFFFF;
	(pc) =	sbr.abs _section_cstart, $3  }
0xc2: {  	[dreg:$0x1] =	wrdreg $0xFFFFFFFF  }
0xc3: {  	_ =	task.clear_ibuf [dreg:s8], $0x2FFFF;
	_ =	strace $0x9FFFFFFF  }
0xc4: {  	(tm) =	ssettm $0x7FFFFFFF  }
0xc5: {  	_ =	shalt  }
tec
execute0_lowered:
.L_overlay_start_1:
0x0: {  	(tag) =	ssettag $0x1  }
0x1: {  	s1 =	rddreg [dreg:$0x0]  }
0x2: {  	s3 =	rddreg [dreg:$0x1]  }
0x3: {  	s0 =	rddreg [dreg:$0x2]  }
0x4: {  	s2 =	srdreg.scid;
	s5 =	stileid.u32;
	s4 =	simm.s32 $0x0  }
0x5: {  	s22 =	simm.s32 $0x3000;
	s23 =	simm.s32 $0x7000;
	s24 =	simm.s32 $0x1  }
0x6: {  	s25 =	simm.s32 $0x8000;
	s28 =	simm.s32 $0x3;
	s29 =	simm.s32 $0x4  }
0x7: {  	s30 =	simm.s32 $0x5;
	s2 =	sand.u32 $0x1, s2;
	s5 =	sshll.u32 s5, $0x1  }
0x8: {  	s31 =	simm.s32 $0x0;
	[smem:$0x7FF] =	sst s4;
	s5 =	sor.u32 s2, s5  }
0x9: {  	_ =	strace $0x80000047;
	s2 =	ssub.s32 $0x2, s2;
	s6 =	sshll.u32 s5, $0xD  }
0xa: {  	s26 =	sshrl.u32 s2, $0x1;
	s14 =	sshll.u32 s5, $0x10;
	s5 =	sshll.u32 s5, $0xC  }
0xb: {  	s0 =	sadd.s32 s6, s0;
	s2 =	ssub.s32 s2, s26;
	s9 =	sor.u32 $0x200, s14  }
.Ltmp0:
0xc: {  	s6 =	sadd.s32 s1, s14;
	s7 =	sadd.s32 s3, s14;
	(pc) =	sbr.rel .LBB2_1-.Ltmp0, $4  }
0xd: {  	s11 =	sor.u32 $0x400, s14;
	s13 =	sor.u32 $0x600, s14;
	s14 =	sor.u32 $0x800, s14  }
0xe: {  	s26 =	simm.s32 $0x2;
	s8 =	sadd.s32 s1, s9;
	s9 =	sadd.s32 s3, s9  }
0xf: {  	s10 =	sadd.s32 s1, s11;
	s11 =	sadd.s32 s3, s11;
	s12 =	sadd.s32 s1, s13  }
0x10: {  	v0 =	vimm.s32 $0x0;
	v1 =	vimm.s32 $0x1;
	s13 =	sadd.s32 s3, s13;
	s15 =	sadd.s32 $0x600, s0;
	s16 =	smax.u32 s2, $0x1  }
.LBB2_14:
0x11: {  	s31 =	sadd.s32 $0x1, s31  }
0x12: {  	p0 =	sne.s32 s31, s16  }
.Ltmp1:
0x13: {  	_ = 	snop;
	(pc) =	sbr.rel @!p0 .LBB2_15-.Ltmp1, $4  }
0x14: {  	[hbm4b:s15+s4] =	stream.linear.scatter [tilespmem:s25], [sflag:$0x5], $0x10000, $0x38;
	[tilespmem:$0x18000] =	vst v63  }
0x15: {  	_ =	swait.ge [sflag:s30], $0x10000  }
0x16: {  	[sflag:s30] =	ssyncset.done $0x0  }
0x17: {  	[sflag:s30] =	ssyncadd.s32 $0xFFFF0000  }
.LBB2_1:
0x18: {  	s0 =	simm.s32 $0x8100  }
0x19: {  	[tilespmem:s0+$0xFFFFFF00] =	vst v0  }
0x1a: {  	[tilespmem:s0+$0xF0] =	vst v0  }
0x1b: {  	[tilespmem:s0+$0xE0] =	vst v0  }
0x1c: {  	[tilespmem:s0+$0xD0] =	vst v0  }
0x1d: {  	[tilespmem:s0+$0xC0] =	vst v0  }
0x1e: {  	[tilespmem:s0+$0xB0] =	vst v0  }
0x1f: {  	[tilespmem:s0+$0xA0] =	vst v0  }
0x20: {  	[tilespmem:s0+$0x90] =	vst v0  }
0x21: {  	[tilespmem:s0+$0x80] =	vst v0  }
0x22: {  	[tilespmem:s0+$0x70] =	vst v0  }
0x23: {  	[tilespmem:s0+$0x60] =	vst v0  }
0x24: {  	[tilespmem:s0+$0x50] =	vst v0  }
0x25: {  	[tilespmem:s0+$0x40] =	vst v0  }
0x26: {  	[tilespmem:s0+$0x30] =	vst v0  }
0x27: {  	[tilespmem:s0+$0x20] =	vst v0  }
0x28: {  	[tilespmem:s0+$0x10] =	vst v0  }
0x29: {  	[tilespmem:s0+$0x0] =	vst v0  }
0x2a: {  	[tilespmem:s0+$0xFFFFFFF0] =	vst v0  }
0x2b: {  	[tilespmem:s0+$0xFFFFFFE0] =	vst v0  }
0x2c: {  	[tilespmem:s0+$0xFFFFFFD0] =	vst v0  }
0x2d: {  	[tilespmem:s0+$0xFFFFFFC0] =	vst v0  }
0x2e: {  	[tilespmem:s0+$0xFFFFFFB0] =	vst v0  }
0x2f: {  	[tilespmem:s0+$0xFFFFFFA0] =	vst v0  }
0x30: {  	[tilespmem:s0+$0xFFFFFF90] =	vst v0  }
0x31: {  	[tilespmem:s0+$0xFFFFFF80] =	vst v0  }
0x32: {  	[tilespmem:s0+$0xFFFFFF70] =	vst v0  }
0x33: {  	[tilespmem:s0+$0xFFFFFF60] =	vst v0  }
0x34: {  	[tilespmem:s0+$0xFFFFFF50] =	vst v0  }
0x35: {  	[tilespmem:s0+$0xFFFFFF40] =	vst v0  }
0x36: {  	[tilespmem:s0+$0xFFFFFF30] =	vst v0  }
0x37: {  	s2 =	simm.s32 $0x0;
	[tilespmem:s0+$0xFFFFFF20] =	vst v0  }
.LBB2_2:
0x38: {  	s2 =	sadd.s32 $0x20, s2;
	[tilespmem:s0+$0xFFFFFF10] =	vst v0;
	s0 =	sadd.s32 $0x200, s0  }
0x39: {  	[tilespmem:s0+$0xFFFFFF00] =	vst v0;
	p0 =	slt.u32 s2, $0xFE0  }
0x3a: {  	[tilespmem:s0+$0xF0] =	vst v0  }
0x3b: {  	[tilespmem:s0+$0xE0] =	vst v0  }
0x3c: {  	[tilespmem:s0+$0xD0] =	vst v0  }
0x3d: {  	[tilespmem:s0+$0xC0] =	vst v0  }
0x3e: {  	[tilespmem:s0+$0xB0] =	vst v0  }
0x3f: {  	[tilespmem:s0+$0xA0] =	vst v0  }
0x40: {  	[tilespmem:s0+$0x90] =	vst v0  }
0x41: {  	[tilespmem:s0+$0x80] =	vst v0  }
0x42: {  	[tilespmem:s0+$0x70] =	vst v0  }
0x43: {  	[tilespmem:s0+$0x60] =	vst v0  }
0x44: {  	[tilespmem:s0+$0x50] =	vst v0  }
0x45: {  	[tilespmem:s0+$0x40] =	vst v0  }
0x46: {  	[tilespmem:s0+$0x30] =	vst v0  }
0x47: {  	[tilespmem:s0+$0x20] =	vst v0  }
0x48: {  	[tilespmem:s0+$0x10] =	vst v0  }
0x49: {  	[tilespmem:s0+$0x0] =	vst v0  }
0x4a: {  	[tilespmem:s0+$0xFFFFFFF0] =	vst v0  }
0x4b: {  	[tilespmem:s0+$0xFFFFFFE0] =	vst v0  }
0x4c: {  	[tilespmem:s0+$0xFFFFFFD0] =	vst v0  }
0x4d: {  	[tilespmem:s0+$0xFFFFFFC0] =	vst v0  }
0x4e: {  	[tilespmem:s0+$0xFFFFFFB0] =	vst v0  }
0x4f: {  	[tilespmem:s0+$0xFFFFFFA0] =	vst v0  }
0x50: {  	[tilespmem:s0+$0xFFFFFF90] =	vst v0  }
0x51: {  	[tilespmem:s0+$0xFFFFFF80] =	vst v0  }
0x52: {  	[tilespmem:s0+$0xFFFFFF70] =	vst v0  }
.Ltmp2:
0x53: {  	[tilespmem:s0+$0xFFFFFF60] =	vst v0;
	(pc) =	sbr.rel @p0 .LBB2_2-.Ltmp2, $4  }
0x54: {  	[tilespmem:s0+$0xFFFFFF50] =	vst v0  }
0x55: {  	[tilespmem:s0+$0xFFFFFF40] =	vst v0  }
0x56: {  	[tilespmem:s0+$0xFFFFFF30] =	vst v0  }
0x57: {  	[tilespmem:s0+$0xFFFFFF20] =	vst v0  }
0x58: {  	[tilespmem:s0+$0xFFFFFF10] =	vst v0;
	s0 =	simm.s32 $0x0  }
0x59: {  	[tilespmem:s0], [sflag:$0x1] =	stream.linear.gather [hbm4b:s6+s0], $0x1000, $0x38;
	[tilespmem:$0x18000] =	vst v63  }
0x5a: {  	s2 =	simm.s32 $0x4000  }
0x5b: {  	[tilespmem:s2], [sflag:$0x1] =	stream.linear.gather [hbm4b:s7+s0], $0x1000, $0x38;
	[tilespmem:$0x18000] =	vst v63  }
0x5c: {  	s18 =	simm.s32 $0x1000  }
0x5d: {  	[tilespmem:s18], [sflag:$0x2] =	stream.linear.gather [hbm4b:s8+s0], $0x1000, $0x38;
	[tilespmem:$0x18000] =	vst v63  }
0x5e: {  	s19 =	simm.s32 $0x5000  }
0x5f: {  	[tilespmem:s19], [sflag:$0x2] =	stream.linear.gather [hbm4b:s9+s0], $0x1000, $0x38;
	[tilespmem:$0x18000] =	vst v63  }
0x60: {  	s20 =	simm.s32 $0x2000  }
0x61: {  	[tilespmem:s20], [sflag:$0x3] =	stream.linear.gather [hbm4b:s10+s0], $0x1000, $0x38;
	[tilespmem:$0x18000] =	vst v63  }
0x62: {  	s21 =	simm.s32 $0x6000  }
0x63: {  	[tilespmem:s21], [sflag:$0x3] =	stream.linear.gather [hbm4b:s11+s0], $0x1000, $0x38;
	[tilespmem:$0x18000] =	vst v63  }
0x64: {  	_ = 	snop  }
0x65: {  	[tilespmem:s22], [sflag:$0x4] =	stream.linear.gather [hbm4b:s12+s0], $0x1000, $0x38;
	[tilespmem:$0x18000] =	vst v63  }
0x66: {  	_ = 	snop  }
0x67: {  	[tilespmem:s23], [sflag:$0x4] =	stream.linear.gather [hbm4b:s13+s0], $0x1000, $0x38;
	[tilespmem:$0x18000] =	vst v63  }
.LBB2_4:
0x68: {  	_ =	swait.ge [sflag:s24], $0x1000  }
0x69: {  	[sflag:s24] =	ssyncset.done $0x0  }
0x6a: {  	[sflag:s24] =	ssyncadd.s32 $0xFFFFF000  }
0x6b: {  	_ =	swait.ge [sflag:s24], $0x1000  }
0x6c: {  	[sflag:s24] =	ssyncset.done $0x0  }
0x6d: {  	s17 =	simm.s32 $0x100;
	[sflag:s24] =	ssyncadd.s32 $0xFFFFF000  }
0x6e: {  	s2 =	simm.s32 $0x4100;
	v2 =	vld [tilespmem:s17+$0xF0]  }
0x6f: {  	v3 =	vld [tilespmem:s2+$0xF0]  }
0x70: {  	v4 =	vld [tilespmem:s2+$0xFFFFFF00]  }
0x71: {  	v5 =	vld [tilespmem:s17+$0xFFFFFF10]  }
0x72: {  	v6 =	vld [tilespmem:s2+$0xFFFFFF10]  }
0x73: {  	v7 =	vld [tilespmem:s17+$0xFFFFFF20]  }
0x74: {  	v8 =	vld [tilespmem:s2+$0xFFFFFF20]  }
0x75: {  	v9 =	vld [tilespmem:s2+$0xFFFFFF30]  }
0x76: {  	v10 =	vld [tilespmem:s17+$0xFFFFFF40]  }
0x77: {  	v11 =	vld [tilespmem:s2+$0xFFFFFF40]  }
0x78: {  	v12 =	vld [tilespmem:s17+$0xFFFFFF50]  }
0x79: {  	v13 =	vld [tilespmem:s2+$0xFFFFFF50]  }
0x7a: {  	v14 =	vld [tilespmem:s17+$0xFFFFFF60]  }
0x7b: {  	v15 =	vld [tilespmem:s2+$0xFFFFFF60]  }
0x7c: {  	v16 =	vld [tilespmem:s2+$0xFFFFFF70]  }
0x7d: {  	v17 =	vld [tilespmem:s17+$0xFFFFFF80]  }
0x7e: {  	v18 =	vld [tilespmem:s2+$0xFFFFFF80]  }
0x7f: {  	v19 =	vld [tilespmem:s17+$0xFFFFFF90]  }
0x80: {  	v20 =	vld [tilespmem:s2+$0xFFFFFF90]  }
0x81: {  	v21 =	vld [tilespmem:s17+$0xFFFFFFA0]  }
0x82: {  	v22 =	vld [tilespmem:s2+$0xFFFFFFA0]  }
0x83: {  	v23 =	vld [tilespmem:s17+$0xFFFFFFB0]  }
0x84: {  	v24 =	vld [tilespmem:s2+$0xFFFFFFB0]  }
0x85: {  	v25 =	vld [tilespmem:s17+$0xFFFFFFC0]  }
0x86: {  	v26 =	vld [tilespmem:s2+$0xFFFFFFC0]  }
0x87: {  	v27 =	vld [tilespmem:s17+$0xFFFFFFD0]  }
0x88: {  	v28 =	vld [tilespmem:s2+$0xFFFFFFD0]  }
0x89: {  	v29 =	vld [tilespmem:s17+$0xFFFFFFE0]  }
0x8a: {  	v30 =	vld [tilespmem:s2+$0xFFFFFFE0]  }
0x8b: {  	v31 =	vld [tilespmem:s17+$0xFFFFFFF0]  }
0x8c: {  	v32 =	vld [tilespmem:s2+$0xFFFFFFF0]  }
0x8d: {  	v33 =	vld [tilespmem:s17+$0x0]  }
0x8e: {  	v34 =	vld [tilespmem:s2+$0x0]  }
0x8f: {  	v35 =	vld [tilespmem:s17+$0x10]  }
0x90: {  	v36 =	vld [tilespmem:s17+$0x20]  }
0x91: {  	v37 =	vld [tilespmem:s17+$0x30]  }
0x92: {  	v38 =	vld [tilespmem:s17+$0x40]  }
0x93: {  	v39 =	vld [tilespmem:s17+$0x50]  }
0x94: {  	v40 =	vld [tilespmem:s2+$0x50]  }
0x95: {  	v50 =	vld [tilespmem:s17+$0xFFFFFF00]  }
0x96: {  	v52 =	vld [tilespmem:s2+$0xA0]  }
0x97: {  	v54 =	vld [tilespmem:s17+$0xB0]  }
0x98: {  	v56 =	vld [tilespmem:s2+$0xB0]  }
0x99: {  	v58 =	vld [tilespmem:s17+$0xC0]  }
0x9a: {  	v59 =	vld [tilespmem:s2+$0xC0]  }
0x9b: {  	v61 =	vld [tilespmem:s17+$0xD0]  }
0x9c: {  	v63 =	vld [tilespmem:s2+$0xD0]  }
0x9d: {  	v42 =	vld [tilespmem:s17+$0xE0];
	v2 =	vsub.f32 v2, v3  }
0x9e: {  	v3 =	vld [tilespmem:s17+$0xFFFFFF30]  }
0x9f: {  	v5 =	vsub.f32 v5, v6;
	v6 =	vld [tilespmem:s2+$0x10];
	v10 =	vsub.f32 v10, v11;
	v2 =	vmul.f32 v2, v2  }
0xa0: {  	v7 =	vsub.f32 v7, v8;
	v8 =	vld [tilespmem:s2+$0x20];
	v45 =	vsub.f32 v17, v18  }
0xa1: {  	v11 =	vld [tilespmem:s2+$0x40];
	v5 =	vmul.f32 v5, v5;
	v10 =	vmul.f32 v10, v10;
	v2 =	vshrl.u32 v2, $0x10  }
0xa2: {  	v44 =	vsub.f32 v14, v15;
	v15 =	vld [tilespmem:s2+$0x80];
	v7 =	vmul.f32 v7, v7;
	v14 =	vmul.f32 v45, v45  }
0xa3: {  	v5 =	vshrl.u32 v5, $0x10;
	v43 =	vshrl.u32 v10, $0x10;
	v10 =	vld [tilespmem:s17+$0x60]  }
0xa4: {  	v12 =	vsub.f32 v12, v13;
	v7 =	vshrl.u32 v7, $0x10;
	v47 =	vshrl.u32 v14, $0x10;
	v14 =	vld [tilespmem:s17+$0x90]  }
0xa5: {  	v3 =	vsub.f32 v3, v9;
	v9 =	vld [tilespmem:s2+$0x30]  }
0xa6: {  	v12 =	vmul.f32 v12, v12;
	[tilespmem:v2+s25+$0x0] =	vst.idx.add.s32.msk $0xffff, v1  }
0xa7: {  	v13 =	vmul.f32 v44, v44;
	v2 =	vld [tilespmem:s17+$0xFFFFFF70]  }
0xa8: {  	v46 =	vsub.f32 v19, v20;
	v12 =	vshrl.u32 v12, $0x10;
	[tilespmem:v5+s25+$0x0] =	vst.idx.add.s32.msk $0xffff, v1  }
0xa9: {  	v13 =	vshrl.u32 v13, $0x10;
	[tilespmem:v7+s25+$0x0] =	vst.idx.add.s32.msk $0xffff, v1  }
0xaa: {  	v51 =	vsub.f32 v21, v22;
	v48 =	vmul.f32 v46, v46;
	v7 =	vld [tilespmem:s2+$0x60]  }
0xab: {  	v53 =	vsub.f32 v23, v24;
	[tilespmem:v43+s25+$0x0] =	vst.idx.add.s32.msk $0xffff, v1  }
0xac: {  	v55 =	vsub.f32 v25, v26;
	v17 =	vmul.f32 v51, v51;
	v49 =	vshrl.u32 v48, $0x10;
	v5 =	vld [tilespmem:s2+$0x70]  }
0xad: {  	v57 =	vsub.f32 v27, v28;
	v19 =	vmul.f32 v53, v53;
	[tilespmem:v12+s25+$0x0] =	vst.idx.add.s32.msk $0xffff, v1  }
0xae: {  	v4 =	vsub.f32 v50, v4;
	v21 =	vmul.f32 v55, v55;
	v17 =	vshrl.u32 v17, $0x10;
	[tilespmem:v13+s25+$0x0] =	vst.idx.add.s32.msk $0xffff, v1  }
0xaf: {  	v23 =	vmul.f32 v57, v57;
	v19 =	vshrl.u32 v19, $0x10;
	[tilespmem:v47+s25+$0x0] =	vst.idx.add.s32.msk $0xffff, v1  }
0xb0: {  	v4 =	vmul.f32 v4, v4;
	v21 =	vshrl.u32 v21, $0x10;
	v12 =	vld [tilespmem:s17+$0xA0]  }
0xb1: {  	v60 =	vsub.f32 v29, v30;
	v23 =	vshrl.u32 v23, $0x10;
	v3 =	vmul.f32 v3, v3;
	[tilespmem:v49+s25+$0x0] =	vst.idx.add.s32.msk $0xffff, v1  }
0xb2: {  	v62 =	vsub.f32 v31, v32;
	v4 =	vshrl.u32 v4, $0x10;
	v43 =	vld [tilespmem:s2+$0xE0]  }
0xb3: {  	v41 =	vsub.f32 v33, v34;
	v25 =	vmul.f32 v60, v60;
	v3 =	vshrl.u32 v3, $0x10;
	[tilespmem:v17+s25+$0x0] =	vst.idx.add.s32.msk $0xffff, v1  }
0xb4: {  	v27 =	vmul.f32 v62, v62;
	[tilespmem:v19+s25+$0x0] =	vst.idx.add.s32.msk $0xffff, v1  }
0xb5: {  	v29 =	vmul.f32 v41, v41;
	v25 =	vshrl.u32 v25, $0x10;
	[tilespmem:v21+s25+$0x0] =	vst.idx.add.s32.msk $0xffff, v1;
	v2 =	vsub.f32 v2, v16  }
0xb6: {  	v44 =	vshrl.u32 v27, $0x10;
	[tilespmem:v23+s25+$0x0] =	vst.idx.add.s32.msk $0xffff, v1  }
0xb7: {  	v55 =	vsub.f32 v58, v59;
	v45 =	vshrl.u32 v29, $0x10;
	[tilespmem:v4+s25+$0x0] =	vst.idx.add.s32.msk $0xffff, v1;
	v2 =	vmul.f32 v2, v2  }
0xb8: {  	v57 =	vsub.f32 v61, v63;
	v6 =	vsub.f32 v35, v6;
	[tilespmem:v3+s25+$0x0] =	vst.idx.add.s32.msk $0xffff, v1  }
0xb9: {  	v59 =	vmul.f32 v55, v55;
	v8 =	vsub.f32 v36, v8;
	v3 =	vld [tilespmem:s17+$0x70];
	v2 =	vshrl.u32 v2, $0x10  }
0xba: {  	v11 =	vsub.f32 v38, v11;
	v6 =	vmul.f32 v6, v6;
	[tilespmem:v25+s25+$0x0] =	vst.idx.add.s32.msk $0xffff, v1  }
0xbb: {  	v61 =	vshrl.u32 v59, $0x10;
	v8 =	vmul.f32 v8, v8;
	[tilespmem:v44+s25+$0x0] =	vst.idx.add.s32.msk $0xffff, v1;
	v9 =	vsub.f32 v37, v9  }
0xbc: {  	v46 =	vsub.f32 v39, v40;
	v11 =	vmul.f32 v11, v11;
	v6 =	vshrl.u32 v6, $0x10;
	[tilespmem:v45+s25+$0x0] =	vst.idx.add.s32.msk $0xffff, v1  }
0xbd: {  	v8 =	vshrl.u32 v8, $0x10;
	v9 =	vmul.f32 v9, v9;
	v16 =	vld [tilespmem:s17+$0x80];
	v7 =	vsub.f32 v10, v7  }
0xbe: {  	v48 =	vmul.f32 v46, v46;
	v49 =	vshrl.u32 v11, $0x10;
	v3 =	vsub.f32 v3, v5;
	[tilespmem:v2+s25+$0x0] =	vst.idx.add.s32.msk $0xffff, v1  }
0xbf: {  	v47 =	vshrl.u32 v9, $0x10;
	v51 =	vsub.f32 v12, v52;
	v7 =	vmul.f32 v7, v7;
	v2 =	vld [tilespmem:s2+$0x90]  }
0xc0: {  	[tilespmem:v61+s25+$0x0] =	vst.idx.add.s32.msk $0xffff, v1;
	v9 =	vshrl.u32 v48, $0x10;
	v52 =	vsub.f32 v54, v56;
	v3 =	vmul.f32 v3, v3  }
0xc1: {  	[tilespmem:v6+s25+$0x0] =	vst.idx.add.s32.msk $0xffff, v1;
	v60 =	vsub.f32 v42, v43;
	v54 =	vmul.f32 v51, v51;
	v7 =	vshrl.u32 v7, $0x10  }
0xc2: {  	[tilespmem:v8+s25+$0x0] =	vst.idx.add.s32.msk $0xffff, v1;
	v56 =	vmul.f32 v52, v52;
	v50 =	vsub.f32 v16, v15;
	v3 =	vshrl.u32 v3, $0x10  }
0xc3: {  	[tilespmem:v49+s25+$0x0] =	vst.idx.add.s32.msk $0xffff, v1;
	v62 =	vmul.f32 v60, v60;
	v58 =	vshrl.u32 v54, $0x10  }
0xc4: {  	v4 =	vshrl.u32 v56, $0x10;
	[tilespmem:v47+s25+$0x0] =	vst.idx.add.s32.msk $0xffff, v1;
	v10 =	vmul.f32 v50, v50;
	v2 =	vsub.f32 v14, v2  }
0xc5: {  	v6 =	vmul.f32 v57, v57;
	v63 =	vshrl.u32 v62, $0x10;
	[tilespmem:v9+s25+$0x0] =	vst.idx.add.s32.msk $0xffff, v1  }
0xc6: {  	v53 =	vshrl.u32 v10, $0x10;
	[tilespmem:v7+s25+$0x0] =	vst.idx.add.s32.msk $0xffff, v1;
	v2 =	vmul.f32 v2, v2  }
0xc7: {  	[tilespmem:v3+s25+$0x0] =	vst.idx.add.s32.msk $0xffff, v1;
	v3 =	vshrl.u32 v6, $0x10  }
0xc8: {  	[tilespmem:v58+s25+$0x0] =	vst.idx.add.s32.msk $0xffff, v1;
	v2 =	vshrl.u32 v2, $0x10  }
0xc9: {  	[tilespmem:v4+s25+$0x0] =	vst.idx.add.s32.msk $0xffff, v1  }
0xca: {  	[tilespmem:v63+s25+$0x0] =	vst.idx.add.s32.msk $0xffff, v1  }
0xcb: {  	[tilespmem:v53+s25+$0x0] =	vst.idx.add.s32.msk $0xffff, v1  }
0xcc: {  	[tilespmem:v3+s25+$0x0] =	vst.idx.add.s32.msk $0xffff, v1  }
0xcd: {  	s18 =	simm.s32 $0x300;
	s17 =	simm.s32 $0x0;
	[tilespmem:v2+s25+$0x0] =	vst.idx.add.s32.msk $0xffff, v1  }
.LBB2_5:
0xce: {  	v3 =	vld [tilespmem:s18+$0xF0];
	s2 =	sadd.s32 $0x200, s2  }
0xcf: {  	s17 =	sadd.s32 $0x20, s17;
	v4 =	vld [tilespmem:s2+$0xF0]  }
0xd0: {  	p0 =	slt.u32 s17, $0xE0;
	v2 =	vld [tilespmem:s2+$0xFFFFFF00]  }
0xd1: {  	v5 =	vld [tilespmem:s18+$0xFFFFFF10]  }
0xd2: {  	v6 =	vld [tilespmem:s2+$0xFFFFFF10]  }
0xd3: {  	v7 =	vld [tilespmem:s18+$0xFFFFFF20]  }
0xd4: {  	v8 =	vld [tilespmem:s2+$0xFFFFFF20];
	v3 =	vsub.f32 v3, v4  }
0xd5: {  	v4 =	vld [tilespmem:s18+$0xFFFFFF30]  }
0xd6: {  	v9 =	vld [tilespmem:s2+$0xFFFFFF30];
	v3 =	vmul.f32 v3, v3  }
0xd7: {  	v5 =	vsub.f32 v5, v6;
	v6 =	vld [tilespmem:s18+$0xFFFFFF40]  }
0xd8: {  	v10 =	vld [tilespmem:s2+$0xFFFFFF40];
	v11 =	vshrl.u32 v3, $0x10  }
0xd9: {  	v3 =	vmul.f32 v5, v5;
	v5 =	vsub.f32 v7, v8;
	v7 =	vld [tilespmem:s18+$0xFFFFFF50]  }
0xda: {  	v8 =	vld [tilespmem:s2+$0xFFFFFF50]  }
0xdb: {  	v3 =	vshrl.u32 v3, $0x10;
	v5 =	vmul.f32 v5, v5;
	v9 =	vsub.f32 v4, v9;
	v12 =	vld [tilespmem:s18+$0xFFFFFF60]  }
0xdc: {  	v13 =	vld [tilespmem:s2+$0xFFFFFF60]  }
0xdd: {  	v4 =	vshrl.u32 v5, $0x10;
	v5 =	vmul.f32 v9, v9;
	v6 =	vsub.f32 v6, v10;
	[tilespmem:v11+s25+$0x0] =	vst.idx.add.s32.msk $0xffff, v1  }
0xde: {  	v9 =	vld [tilespmem:s18+$0xFFFFFF70]  }
0xdf: {  	v5 =	vshrl.u32 v5, $0x10;
	v6 =	vmul.f32 v6, v6;
	v7 =	vsub.f32 v7, v8;
	v8 =	vld [tilespmem:s2+$0xFFFFFF70]  }
0xe0: {  	v10 =	vld [tilespmem:s18+$0xFFFFFF80]  }
0xe1: {  	v6 =	vshrl.u32 v6, $0x10;
	v7 =	vmul.f32 v7, v7;
	v11 =	vsub.f32 v12, v13;
	v12 =	vld [tilespmem:s2+$0xFFFFFF80]  }
0xe2: {  	v13 =	vld [tilespmem:s18+$0xFFFFFF90]  }
0xe3: {  	v7 =	vshrl.u32 v7, $0x10;
	v11 =	vmul.f32 v11, v11;
	v14 =	vld [tilespmem:s2+$0xFFFFFF90]  }
0xe4: {  	v9 =	vsub.f32 v9, v8;
	v15 =	vld [tilespmem:s18+$0xFFFFFFA0]  }
0xe5: {  	v8 =	vshrl.u32 v11, $0x10;
	v11 =	vld [tilespmem:s2+$0xFFFFFFA0]  }
0xe6: {  	v9 =	vmul.f32 v9, v9;
	v10 =	vsub.f32 v10, v12;
	v12 =	vld [tilespmem:s18+$0xFFFFFFB0]  }
0xe7: {  	v16 =	vld [tilespmem:s2+$0xFFFFFFB0]  }
0xe8: {  	v9 =	vshrl.u32 v9, $0x10;
	v10 =	vmul.f32 v10, v10;
	v13 =	vsub.f32 v13, v14;
	v14 =	vld [tilespmem:s18+$0xFFFFFFC0]  }
0xe9: {  	v17 =	vld [tilespmem:s2+$0xFFFFFFC0]  }
0xea: {  	v10 =	vshrl.u32 v10, $0x10;
	v13 =	vmul.f32 v13, v13;
	v15 =	vsub.f32 v15, v11;
	v18 =	vld [tilespmem:s18+$0xFFFFFFD0]  }
0xeb: {  	v19 =	vld [tilespmem:s2+$0xFFFFFFD0]  }
0xec: {  	v11 =	vshrl.u32 v13, $0x10;
	v13 =	vmul.f32 v15, v15;
	v15 =	vsub.f32 v12, v16;
	v16 =	vld [tilespmem:s18+$0xFFFFFFE0]  }
0xed: {  	v20 =	vld [tilespmem:s2+$0xFFFFFFE0]  }
0xee: {  	v12 =	vshrl.u32 v13, $0x10;
	v13 =	vmul.f32 v15, v15;
	v14 =	vsub.f32 v14, v17;
	v17 =	vld [tilespmem:s18+$0xFFFFFFF0]  }
0xef: {  	v21 =	vld [tilespmem:s2+$0xFFFFFFF0]  }
0xf0: {  	v13 =	vshrl.u32 v13, $0x10;
	v14 =	vmul.f32 v14, v14;
	v15 =	vsub.f32 v18, v19;
	v18 =	vld [tilespmem:s18+$0x0]  }
0xf1: {  	v19 =	vld [tilespmem:s2+$0x0]  }
0xf2: {  	v14 =	vshrl.u32 v14, $0x10;
	v15 =	vmul.f32 v15, v15;
	v16 =	vsub.f32 v16, v20;
	v20 =	vld [tilespmem:s18+$0x10]  }
0xf3: {  	v22 =	vld [tilespmem:s2+$0x10]  }
0xf4: {  	v15 =	vshrl.u32 v15, $0x10;
	v16 =	vmul.f32 v16, v16;
	v17 =	vsub.f32 v17, v21;
	v21 =	vld [tilespmem:s18+$0x20]  }
0xf5: {  	v23 =	vld [tilespmem:s2+$0x20]  }
0xf6: {  	v16 =	vshrl.u32 v16, $0x10;
	v17 =	vmul.f32 v17, v17;
	v18 =	vsub.f32 v18, v19;
	v19 =	vld [tilespmem:s18+$0x30]  }
0xf7: {  	v24 =	vld [tilespmem:s2+$0x30]  }
0xf8: {  	v17 =	vshrl.u32 v17, $0x10;
	v18 =	vmul.f32 v18, v18;
	v20 =	vsub.f32 v20, v22;
	v22 =	vld [tilespmem:s18+$0x40]  }
0xf9: {  	v25 =	vld [tilespmem:s2+$0x40]  }
0xfa: {  	v18 =	vshrl.u32 v18, $0x10;
	v20 =	vmul.f32 v20, v20;
	v21 =	vsub.f32 v21, v23;
	v23 =	vld [tilespmem:s18+$0x50]  }
0xfb: {  	v26 =	vld [tilespmem:s2+$0x50]  }
0xfc: {  	v20 =	vshrl.u32 v20, $0x10;
	v21 =	vmul.f32 v21, v21;
	v19 =	vsub.f32 v19, v24;
	v24 =	vld [tilespmem:s18+$0x60]  }
0xfd: {  	v27 =	vld [tilespmem:s2+$0x60]  }
0xfe: {  	v21 =	vshrl.u32 v21, $0x10;
	v19 =	vmul.f32 v19, v19;
	v22 =	vsub.f32 v22, v25;
	v25 =	vld [tilespmem:s18+$0x70]  }
0xff: {  	v28 =	vld [tilespmem:s2+$0x70]  }
0x100: {  	v19 =	vshrl.u32 v19, $0x10;
	v22 =	vmul.f32 v22, v22;
	v23 =	vsub.f32 v23, v26;
	v26 =	vld [tilespmem:s18+$0x80]  }
0x101: {  	v29 =	vld [tilespmem:s2+$0x80]  }
0x102: {  	v22 =	vshrl.u32 v22, $0x10;
	v23 =	vmul.f32 v23, v23;
	v24 =	vsub.f32 v24, v27;
	v27 =	vld [tilespmem:s18+$0x90]  }
0x103: {  	v30 =	vld [tilespmem:s2+$0x90]  }
0x104: {  	v23 =	vshrl.u32 v23, $0x10;
	v24 =	vmul.f32 v24, v24;
	v25 =	vsub.f32 v25, v28;
	v28 =	vld [tilespmem:s18+$0xA0]  }
0x105: {  	v31 =	vld [tilespmem:s2+$0xA0]  }
0x106: {  	v24 =	vshrl.u32 v24, $0x10;
	v25 =	vmul.f32 v25, v25;
	v26 =	vsub.f32 v26, v29;
	v29 =	vld [tilespmem:s18+$0xB0]  }
0x107: {  	v32 =	vld [tilespmem:s2+$0xB0]  }
0x108: {  	v25 =	vshrl.u32 v25, $0x10;
	v26 =	vmul.f32 v26, v26;
	v27 =	vsub.f32 v27, v30;
	v30 =	vld [tilespmem:s18+$0xC0]  }
0x109: {  	v33 =	vld [tilespmem:s2+$0xC0]  }
0x10a: {  	v26 =	vshrl.u32 v26, $0x10;
	v27 =	vmul.f32 v27, v27;
	v28 =	vsub.f32 v28, v31;
	v31 =	vld [tilespmem:s18+$0xD0]  }
0x10b: {  	v34 =	vld [tilespmem:s2+$0xD0]  }
0x10c: {  	v27 =	vshrl.u32 v27, $0x10;
	v28 =	vmul.f32 v28, v28;
	v29 =	vsub.f32 v29, v32;
	v32 =	vld [tilespmem:s18+$0xE0]  }
0x10d: {  	v35 =	vld [tilespmem:s2+$0xE0]  }
0x10e: {  	v36 =	vld [tilespmem:s18+$0xFFFFFF00];
	v28 =	vshrl.u32 v28, $0x10;
	v29 =	vmul.f32 v29, v29;
	v30 =	vsub.f32 v30, v33  }
0x10f: {  	[tilespmem:v3+s25+$0x0] =	vst.idx.add.s32.msk $0xffff, v1  }
0x110: {  	[tilespmem:v4+s25+$0x0] =	vst.idx.add.s32.msk $0xffff, v1;
	v3 =	vshrl.u32 v29, $0x10;
	v4 =	vmul.f32 v30, v30;
	v29 =	vsub.f32 v31, v34  }
0x111: {  	[tilespmem:v5+s25+$0x0] =	vst.idx.add.s32.msk $0xffff, v1  }
0x112: {  	[tilespmem:v6+s25+$0x0] =	vst.idx.add.s32.msk $0xffff, v1;
	v4 =	vshrl.u32 v4, $0x10;
	v5 =	vmul.f32 v29, v29;
	v6 =	vsub.f32 v32, v35  }
0x113: {  	v2 =	vsub.f32 v36, v2;
	[tilespmem:v7+s25+$0x0] =	vst.idx.add.s32.msk $0xffff, v1  }
0x114: {  	[tilespmem:v8+s25+$0x0] =	vst.idx.add.s32.msk $0xffff, v1;
	v5 =	vshrl.u32 v5, $0x10;
	v6 =	vmul.f32 v6, v6  }
0x115: {  	v2 =	vmul.f32 v2, v2;
	[tilespmem:v9+s25+$0x0] =	vst.idx.add.s32.msk $0xffff, v1  }
0x116: {  	[tilespmem:v10+s25+$0x0] =	vst.idx.add.s32.msk $0xffff, v1;
	v6 =	vshrl.u32 v6, $0x10  }
0x117: {  	v2 =	vshrl.u32 v2, $0x10;
	[tilespmem:v11+s25+$0x0] =	vst.idx.add.s32.msk $0xffff, v1  }
0x118: {  	[tilespmem:v12+s25+$0x0] =	vst.idx.add.s32.msk $0xffff, v1  }
0x119: {  	[tilespmem:v13+s25+$0x0] =	vst.idx.add.s32.msk $0xffff, v1  }
0x11a: {  	[tilespmem:v14+s25+$0x0] =	vst.idx.add.s32.msk $0xffff, v1  }
0x11b: {  	[tilespmem:v15+s25+$0x0] =	vst.idx.add.s32.msk $0xffff, v1  }
0x11c: {  	[tilespmem:v2+s25+$0x0] =	vst.idx.add.s32.msk $0xffff, v1  }
0x11d: {  	[tilespmem:v16+s25+$0x0] =	vst.idx.add.s32.msk $0xffff, v1  }
0x11e: {  	[tilespmem:v17+s25+$0x0] =	vst.idx.add.s32.msk $0xffff, v1  }
0x11f: {  	[tilespmem:v18+s25+$0x0] =	vst.idx.add.s32.msk $0xffff, v1  }
0x120: {  	[tilespmem:v20+s25+$0x0] =	vst.idx.add.s32.msk $0xffff, v1  }
0x121: {  	[tilespmem:v21+s25+$0x0] =	vst.idx.add.s32.msk $0xffff, v1  }
0x122: {  	[tilespmem:v19+s25+$0x0] =	vst.idx.add.s32.msk $0xffff, v1  }
0x123: {  	[tilespmem:v22+s25+$0x0] =	vst.idx.add.s32.msk $0xffff, v1  }
0x124: {  	[tilespmem:v23+s25+$0x0] =	vst.idx.add.s32.msk $0xffff, v1  }
0x125: {  	[tilespmem:v24+s25+$0x0] =	vst.idx.add.s32.msk $0xffff, v1  }
0x126: {  	[tilespmem:v25+s25+$0x0] =	vst.idx.add.s32.msk $0xffff, v1  }
0x127: {  	[tilespmem:v26+s25+$0x0] =	vst.idx.add.s32.msk $0xffff, v1  }
0x128: {  	[tilespmem:v27+s25+$0x0] =	vst.idx.add.s32.msk $0xffff, v1  }
.Ltmp3:
0x129: {  	[tilespmem:v28+s25+$0x0] =	vst.idx.add.s32.msk $0xffff, v1;
	(pc) =	sbr.rel @p0 .LBB2_5-.Ltmp3, $4  }
0x12a: {  	[tilespmem:v3+s25+$0x0] =	vst.idx.add.s32.msk $0xffff, v1  }
0x12b: {  	[tilespmem:v4+s25+$0x0] =	vst.idx.add.s32.msk $0xffff, v1  }
0x12c: {  	[tilespmem:v5+s25+$0x0] =	vst.idx.add.s32.msk $0xffff, v1  }
0x12d: {  	s18 =	sadd.s32 $0x200, s18;
	[tilespmem:v6+s25+$0x0] =	vst.idx.add.s32.msk $0xffff, v1  }
0x12e: {  	p0 =	seq.s32 s0, $0x1F  }
0x12f: {  	s2 =	sshll.u32 @!p0 s0, $0xB  }
0x130: {  	s2 =	sadd.s32 @!p0 s2, s14  }
0x131: {  	s18 =	simm.s32 @!p0 $0x0;
	s17 =	sadd.s32 @!p0 s1, s2  }
0x132: {  	[tilespmem:s18], [sflag:$0x1] =	stream.linear.gather @!p0 [hbm4b:s17+s18], $0x1000, $0x38;
	[tilespmem:$0x18000] =	vst v63  }
0x133: {  	s2 =	sadd.s32 @!p0 s3, s2;
	s17 =	simm.s32 @!p0 $0x4000  }
0x134: {  	[tilespmem:s17], [sflag:$0x1] =	stream.linear.gather @!p0 [hbm4b:s2+s18], $0x1000, $0x38;
	[tilespmem:$0x18000] =	vst v63  }
0x135: {  	_ =	swait.ge [sflag:s26], $0x1000  }
0x136: {  	[sflag:s26] =	ssyncset.done $0x0  }
0x137: {  	[sflag:s26] =	ssyncadd.s32 $0xFFFFF000  }
0x138: {  	_ =	swait.ge [sflag:s26], $0x1000  }
0x139: {  	[sflag:s26] =	ssyncset.done $0x0  }
0x13a: {  	s21 =	simm.s32 $0x11F0;
	[sflag:s26] =	ssyncadd.s32 $0xFFFFF000  }
0x13b: {  	s2 =	simm.s32 $0x51F0;
	v2 =	vld [tilespmem:s21+$0x0]  }
0x13c: {  	v3 =	vld [tilespmem:s2+$0x0]  }
0x13d: {  	v4 =	vld [tilespmem:s2+$0xFFFFFE10]  }
0x13e: {  	v5 =	vld [tilespmem:s21+$0xFFFFFE20]  }
0x13f: {  	v6 =	vld [tilespmem:s2+$0xFFFFFE20]  }
0x140: {  	v7 =	vld [tilespmem:s21+$0xFFFFFE30]  }
0x141: {  	v8 =	vld [tilespmem:s2+$0xFFFFFE30]  }
0x142: {  	v9 =	vld [tilespmem:s2+$0xFFFFFE40]  }
0x143: {  	v10 =	vld [tilespmem:s21+$0xFFFFFE50]  }
0x144: {  	v11 =	vld [tilespmem:s2+$0xFFFFFE50]  }
0x145: {  	v12 =	vld [tilespmem:s21+$0xFFFFFE60]  }
0x146: {  	v13 =	vld [tilespmem:s2+$0xFFFFFE60]  }
0x147: {  	v14 =	vld [tilespmem:s21+$0xFFFFFE70]  }
0x148: {  	v15 =	vld [tilespmem:s2+$0xFFFFFE70]  }
0x149: {  	v16 =	vld [tilespmem:s2+$0xFFFFFE80]  }
0x14a: {  	v17 =	vld [tilespmem:s21+$0xFFFFFE90]  }
0x14b: {  	v18 =	vld [tilespmem:s2+$0xFFFFFE90]  }
0x14c: {  	v19 =	vld [tilespmem:s21+$0xFFFFFEA0]  }
0x14d: {  	v20 =	vld [tilespmem:s2+$0xFFFFFEA0]  }
0x14e: {  	v21 =	vld [tilespmem:s21+$0xFFFFFEB0]  }
0x14f: {  	v22 =	vld [tilespmem:s2+$0xFFFFFEB0]  }
0x150: {  	v23 =	vld [tilespmem:s21+$0xFFFFFEC0]  }
0x151: {  	v24 =	vld [tilespmem:s2+$0xFFFFFEC0]  }
0x152: {  	v25 =	vld [tilespmem:s21+$0xFFFFFED0]  }
0x153: {  	v26 =	vld [tilespmem:s2+$0xFFFFFED0]  }
0x154: {  	v27 =	vld [tilespmem:s21+$0xFFFFFEE0]  }
0x155: {  	v28 =	vld [tilespmem:s2+$0xFFFFFEE0]  }
0x156: {  	v29 =	vld [tilespmem:s21+$0xFFFFFEF0]  }
0x157: {  	v30 =	vld [tilespmem:s2+$0xFFFFFEF0]  }
0x158: {  	v31 =	vld [tilespmem:s21+$0xFFFFFF00]  }
0x159: {  	v32 =	vld [tilespmem:s2+$0xFFFFFF00]  }
0x15a: {  	v33 =	vld [tilespmem:s21+$0xFFFFFF10]  }
0x15b: {  	v34 =	vld [tilespmem:s2+$0xFFFFFF10]  }
0x15c: {  	v35 =	vld [tilespmem:s21+$0xFFFFFF20]  }
0x15d: {  	v36 =	vld [tilespmem:s21+$0xFFFFFF30]  }
0x15e: {  	v37 =	vld [tilespmem:s21+$0xFFFFFF40]  }
0x15f: {  	v38 =	vld [tilespmem:s21+$0xFFFFFF50]  }
0x160: {  	v39 =	vld [tilespmem:s21+$0xFFFFFF60]  }
0x161: {  	v40 =	vld [tilespmem:s2+$0xFFFFFF60]  }
0x162: {  	v50 =	vld [tilespmem:s21+$0xFFFFFE10]  }
0x163: {  	v52 =	vld [tilespmem:s2+$0xFFFFFFB0]  }
0x164: {  	v54 =	vld [tilespmem:s21+$0xFFFFFFC0]  }
0x165: {  	v56 =	vld [tilespmem:s2+$0xFFFFFFC0]  }
0x166: {  	v58 =	vld [tilespmem:s21+$0xFFFFFFD0]  }
0x167: {  	v59 =	vld [tilespmem:s2+$0xFFFFFFD0]  }
0x168: {  	v61 =	vld [tilespmem:s21+$0xFFFFFFE0]  }
0x169: {  	v63 =	vld [tilespmem:s2+$0xFFFFFFE0]  }
0x16a: {  	v42 =	vld [tilespmem:s21+$0xFFFFFFF0];
	v2 =	vsub.f32 v2, v3  }
0x16b: {  	v3 =	vld [tilespmem:s21+$0xFFFFFE40]  }
0x16c: {  	v5 =	vsub.f32 v5, v6;
	v6 =	vld [tilespmem:s2+$0xFFFFFF20];
	v10 =	vsub.f32 v10, v11;
	v2 =	vmul.f32 v2, v2  }
0x16d: {  	v7 =	vsub.f32 v7, v8;
	v8 =	vld [tilespmem:s2+$0xFFFFFF30];
	v45 =	vsub.f32 v17, v18  }
0x16e: {  	v11 =	vld [tilespmem:s2+$0xFFFFFF50];
	v5 =	vmul.f32 v5, v5;
	v10 =	vmul.f32 v10, v10;
	v2 =	vshrl.u32 v2, $0x10  }
0x16f: {  	v44 =	vsub.f32 v14, v15;
	v15 =	vld [tilespmem:s2+$0xFFFFFF90];
	v7 =	vmul.f32 v7, v7;
	v14 =	vmul.f32 v45, v45  }
0x170: {  	v5 =	vshrl.u32 v5, $0x10;
	v43 =	vshrl.u32 v10, $0x10;
	v10 =	vld [tilespmem:s21+$0xFFFFFF70]  }
0x171: {  	v12 =	vsub.f32 v12, v13;
	v7 =	vshrl.u32 v7, $0x10;
	v47 =	vshrl.u32 v14, $0x10;
	v14 =	vld [tilespmem:s21+$0xFFFFFFA0]  }
0x172: {  	v3 =	vsub.f32 v3, v9;
	v9 =	vld [tilespmem:s2+$0xFFFFFF40]  }
0x173: {  	v12 =	vmul.f32 v12, v12;
	[tilespmem:v2+s25+$0x0] =	vst.idx.add.s32.msk $0xffff, v1  }
0x174: {  	v13 =	vmul.f32 v44, v44;
	v2 =	vld [tilespmem:s21+$0xFFFFFE80]  }
0x175: {  	v46 =	vsub.f32 v19, v20;
	v12 =	vshrl.u32 v12, $0x10;
	[tilespmem:v5+s25+$0x0] =	vst.idx.add.s32.msk $0xffff, v1  }
0x176: {  	v13 =	vshrl.u32 v13, $0x10;
	[tilespmem:v7+s25+$0x0] =	vst.idx.add.s32.msk $0xffff, v1  }
0x177: {  	v51 =	vsub.f32 v21, v22;
	v48 =	vmul.f32 v46, v46;
	v7 =	vld [tilespmem:s2+$0xFFFFFF70]  }
0x178: {  	v53 =	vsub.f32 v23, v24;
	[tilespmem:v43+s25+$0x0] =	vst.idx.add.s32.msk $0xffff, v1  }
0x179: {  	v55 =	vsub.f32 v25, v26;
	v17 =	vmul.f32 v51, v51;
	v49 =	vshrl.u32 v48, $0x10;
	v5 =	vld [tilespmem:s2+$0xFFFFFF80]  }
0x17a: {  	v57 =	vsub.f32 v27, v28;
	v19 =	vmul.f32 v53, v53;
	[tilespmem:v12+s25+$0x0] =	vst.idx.add.s32.msk $0xffff, v1  }
0x17b: {  	v4 =	vsub.f32 v50, v4;
	v21 =	vmul.f32 v55, v55;
	v17 =	vshrl.u32 v17, $0x10;
	[tilespmem:v13+s25+$0x0] =	vst.idx.add.s32.msk $0xffff, v1  }
0x17c: {  	v23 =	vmul.f32 v57, v57;
	v19 =	vshrl.u32 v19, $0x10;
	[tilespmem:v47+s25+$0x0] =	vst.idx.add.s32.msk $0xffff, v1  }
0x17d: {  	v4 =	vmul.f32 v4, v4;
	v21 =	vshrl.u32 v21, $0x10;
	v12 =	vld [tilespmem:s21+$0xFFFFFFB0]  }
0x17e: {  	v60 =	vsub.f32 v29, v30;
	v23 =	vshrl.u32 v23, $0x10;
	v3 =	vmul.f32 v3, v3;
	[tilespmem:v49+s25+$0x0] =	vst.idx.add.s32.msk $0xffff, v1  }
0x17f: {  	v62 =	vsub.f32 v31, v32;
	v4 =	vshrl.u32 v4, $0x10;
	v43 =	vld [tilespmem:s2+$0xFFFFFFF0]  }
0x180: {  	v41 =	vsub.f32 v33, v34;
	v25 =	vmul.f32 v60, v60;
	v3 =	vshrl.u32 v3, $0x10;
	[tilespmem:v17+s25+$0x0] =	vst.idx.add.s32.msk $0xffff, v1  }
0x181: {  	v27 =	vmul.f32 v62, v62;
	[tilespmem:v19+s25+$0x0] =	vst.idx.add.s32.msk $0xffff, v1  }
0x182: {  	v29 =	vmul.f32 v41, v41;
	v25 =	vshrl.u32 v25, $0x10;
	[tilespmem:v21+s25+$0x0] =	vst.idx.add.s32.msk $0xffff, v1;
	v2 =	vsub.f32 v2, v16  }
0x183: {  	v44 =	vshrl.u32 v27, $0x10;
	[tilespmem:v23+s25+$0x0] =	vst.idx.add.s32.msk $0xffff, v1  }
0x184: {  	v55 =	vsub.f32 v58, v59;
	v45 =	vshrl.u32 v29, $0x10;
	[tilespmem:v4+s25+$0x0] =	vst.idx.add.s32.msk $0xffff, v1;
	v2 =	vmul.f32 v2, v2  }
0x185: {  	v57 =	vsub.f32 v61, v63;
	v6 =	vsub.f32 v35, v6;
	[tilespmem:v3+s25+$0x0] =	vst.idx.add.s32.msk $0xffff, v1  }
0x186: {  	v59 =	vmul.f32 v55, v55;
	v8 =	vsub.f32 v36, v8;
	v3 =	vld [tilespmem:s21+$0xFFFFFF80];
	v2 =	vshrl.u32 v2, $0x10  }
0x187: {  	v11 =	vsub.f32 v38, v11;
	v6 =	vmul.f32 v6, v6;
	[tilespmem:v25+s25+$0x0] =	vst.idx.add.s32.msk $0xffff, v1  }
0x188: {  	v61 =	vshrl.u32 v59, $0x10;
	v8 =	vmul.f32 v8, v8;
	[tilespmem:v44+s25+$0x0] =	vst.idx.add.s32.msk $0xffff, v1;
	v9 =	vsub.f32 v37, v9  }
0x189: {  	v46 =	vsub.f32 v39, v40;
	v11 =	vmul.f32 v11, v11;
	v6 =	vshrl.u32 v6, $0x10;
	[tilespmem:v45+s25+$0x0] =	vst.idx.add.s32.msk $0xffff, v1  }
0x18a: {  	v8 =	vshrl.u32 v8, $0x10;
	v9 =	vmul.f32 v9, v9;
	v16 =	vld [tilespmem:s21+$0xFFFFFF90];
	v7 =	vsub.f32 v10, v7  }
0x18b: {  	v48 =	vmul.f32 v46, v46;
	v49 =	vshrl.u32 v11, $0x10;
	v3 =	vsub.f32 v3, v5;
	[tilespmem:v2+s25+$0x0] =	vst.idx.add.s32.msk $0xffff, v1  }
0x18c: {  	v47 =	vshrl.u32 v9, $0x10;
	v51 =	vsub.f32 v12, v52;
	v7 =	vmul.f32 v7, v7;
	v2 =	vld [tilespmem:s2+$0xFFFFFFA0]  }
0x18d: {  	[tilespmem:v61+s25+$0x0] =	vst.idx.add.s32.msk $0xffff, v1;
	v9 =	vshrl.u32 v48, $0x10;
	v52 =	vsub.f32 v54, v56;
	v3 =	vmul.f32 v3, v3  }
0x18e: {  	[tilespmem:v6+s25+$0x0] =	vst.idx.add.s32.msk $0xffff, v1;
	v60 =	vsub.f32 v42, v43;
	v54 =	vmul.f32 v51, v51;
	v7 =	vshrl.u32 v7, $0x10  }
0x18f: {  	[tilespmem:v8+s25+$0x0] =	vst.idx.add.s32.msk $0xffff, v1;
	v56 =	vmul.f32 v52, v52;
	v50 =	vsub.f32 v16, v15;
	v3 =	vshrl.u32 v3, $0x10  }
0x190: {  	[tilespmem:v49+s25+$0x0] =	vst.idx.add.s32.msk $0xffff, v1;
	v62 =	vmul.f32 v60, v60;
	v58 =	vshrl.u32 v54, $0x10  }
0x191: {  	v4 =	vshrl.u32 v56, $0x10;
	[tilespmem:v47+s25+$0x0] =	vst.idx.add.s32.msk $0xffff, v1;
	v10 =	vmul.f32 v50, v50;
	v2 =	vsub.f32 v14, v2  }
0x192: {  	v6 =	vmul.f32 v57, v57;
	v63 =	vshrl.u32 v62, $0x10;
	[tilespmem:v9+s25+$0x0] =	vst.idx.add.s32.msk $0xffff, v1  }
0x193: {  	v53 =	vshrl.u32 v10, $0x10;
	[tilespmem:v7+s25+$0x0] =	vst.idx.add.s32.msk $0xffff, v1;
	v2 =	vmul.f32 v2, v2  }
0x194: {  	[tilespmem:v3+s25+$0x0] =	vst.idx.add.s32.msk $0xffff, v1;
	v3 =	vshrl.u32 v6, $0x10  }
0x195: {  	[tilespmem:v58+s25+$0x0] =	vst.idx.add.s32.msk $0xffff, v1;
	v2 =	vshrl.u32 v2, $0x10  }
0x196: {  	[tilespmem:v4+s25+$0x0] =	vst.idx.add.s32.msk $0xffff, v1  }
0x197: {  	[tilespmem:v63+s25+$0x0] =	vst.idx.add.s32.msk $0xffff, v1  }
0x198: {  	[tilespmem:v53+s25+$0x0] =	vst.idx.add.s32.msk $0xffff, v1  }
0x199: {  	[tilespmem:v3+s25+$0x0] =	vst.idx.add.s32.msk $0xffff, v1  }
0x19a: {  	s17 =	simm.s32 $0x0;
	s18 =	simm.s32 $0x13F0;
	[tilespmem:v2+s25+$0x0] =	vst.idx.add.s32.msk $0xffff, v1  }
.LBB2_7:
0x19b: {  	v3 =	vld [tilespmem:s18+$0x0];
	s2 =	sadd.s32 $0x200, s2  }
0x19c: {  	s17 =	sadd.s32 $0x20, s17;
	v4 =	vld [tilespmem:s2+$0x0]  }
0x19d: {  	p1 =	slt.u32 s17, $0xE0;
	v2 =	vld [tilespmem:s2+$0xFFFFFE10]  }
0x19e: {  	v5 =	vld [tilespmem:s18+$0xFFFFFE20]  }
0x19f: {  	v6 =	vld [tilespmem:s2+$0xFFFFFE20]  }
0x1a0: {  	v7 =	vld [tilespmem:s18+$0xFFFFFE30]  }
0x1a1: {  	v8 =	vld [tilespmem:s2+$0xFFFFFE30];
	v3 =	vsub.f32 v3, v4  }
0x1a2: {  	v4 =	vld [tilespmem:s18+$0xFFFFFE40]  }
0x1a3: {  	v9 =	vld [tilespmem:s2+$0xFFFFFE40];
	v3 =	vmul.f32 v3, v3  }
0x1a4: {  	v5 =	vsub.f32 v5, v6;
	v6 =	vld [tilespmem:s18+$0xFFFFFE50]  }
0x1a5: {  	v10 =	vld [tilespmem:s2+$0xFFFFFE50];
	v11 =	vshrl.u32 v3, $0x10  }
0x1a6: {  	v3 =	vmul.f32 v5, v5;
	v5 =	vsub.f32 v7, v8;
	v7 =	vld [tilespmem:s18+$0xFFFFFE60]  }
0x1a7: {  	v8 =	vld [tilespmem:s2+$0xFFFFFE60]  }
0x1a8: {  	v3 =	vshrl.u32 v3, $0x10;
	v5 =	vmul.f32 v5, v5;
	v9 =	vsub.f32 v4, v9;
	v12 =	vld [tilespmem:s18+$0xFFFFFE70]  }
0x1a9: {  	v13 =	vld [tilespmem:s2+$0xFFFFFE70]  }
0x1aa: {  	v4 =	vshrl.u32 v5, $0x10;
	v5 =	vmul.f32 v9, v9;
	v6 =	vsub.f32 v6, v10;
	[tilespmem:v11+s25+$0x0] =	vst.idx.add.s32.msk $0xffff, v1  }
0x1ab: {  	v9 =	vld [tilespmem:s18+$0xFFFFFE80]  }
0x1ac: {  	v5 =	vshrl.u32 v5, $0x10;
	v6 =	vmul.f32 v6, v6;
	v7 =	vsub.f32 v7, v8;
	v8 =	vld [tilespmem:s2+$0xFFFFFE80]  }
0x1ad: {  	v10 =	vld [tilespmem:s18+$0xFFFFFE90]  }
0x1ae: {  	v6 =	vshrl.u32 v6, $0x10;
	v7 =	vmul.f32 v7, v7;
	v11 =	vsub.f32 v12, v13;
	v12 =	vld [tilespmem:s2+$0xFFFFFE90]  }
0x1af: {  	v13 =	vld [tilespmem:s18+$0xFFFFFEA0]  }
0x1b0: {  	v7 =	vshrl.u32 v7, $0x10;
	v11 =	vmul.f32 v11, v11;
	v14 =	vld [tilespmem:s2+$0xFFFFFEA0]  }
0x1b1: {  	v9 =	vsub.f32 v9, v8;
	v15 =	vld [tilespmem:s18+$0xFFFFFEB0]  }
0x1b2: {  	v8 =	vshrl.u32 v11, $0x10;
	v11 =	vld [tilespmem:s2+$0xFFFFFEB0]  }
0x1b3: {  	v9 =	vmul.f32 v9, v9;
	v10 =	vsub.f32 v10, v12;
	v12 =	vld [tilespmem:s18+$0xFFFFFEC0]  }
0x1b4: {  	v16 =	vld [tilespmem:s2+$0xFFFFFEC0]  }
0x1b5: {  	v9 =	vshrl.u32 v9, $0x10;
	v10 =	vmul.f32 v10, v10;
	v13 =	vsub.f32 v13, v14;
	v14 =	vld [tilespmem:s18+$0xFFFFFED0]  }
0x1b6: {  	v17 =	vld [tilespmem:s2+$0xFFFFFED0]  }
0x1b7: {  	v10 =	vshrl.u32 v10, $0x10;
	v13 =	vmul.f32 v13, v13;
	v15 =	vsub.f32 v15, v11;
	v18 =	vld [tilespmem:s18+$0xFFFFFEE0]  }
0x1b8: {  	v19 =	vld [tilespmem:s2+$0xFFFFFEE0]  }
0x1b9: {  	v11 =	vshrl.u32 v13, $0x10;
	v13 =	vmul.f32 v15, v15;
	v15 =	vsub.f32 v12, v16;
	v16 =	vld [tilespmem:s18+$0xFFFFFEF0]  }
0x1ba: {  	v20 =	vld [tilespmem:s2+$0xFFFFFEF0]  }
0x1bb: {  	v12 =	vshrl.u32 v13, $0x10;
	v13 =	vmul.f32 v15, v15;
	v14 =	vsub.f32 v14, v17;
	v17 =	vld [tilespmem:s18+$0xFFFFFF00]  }
0x1bc: {  	v21 =	vld [tilespmem:s2+$0xFFFFFF00]  }
0x1bd: {  	v13 =	vshrl.u32 v13, $0x10;
	v14 =	vmul.f32 v14, v14;
	v15 =	vsub.f32 v18, v19;
	v18 =	vld [tilespmem:s18+$0xFFFFFF10]  }
0x1be: {  	v19 =	vld [tilespmem:s2+$0xFFFFFF10]  }
0x1bf: {  	v14 =	vshrl.u32 v14, $0x10;
	v15 =	vmul.f32 v15, v15;
	v16 =	vsub.f32 v16, v20;
	v20 =	vld [tilespmem:s18+$0xFFFFFF20]  }
0x1c0: {  	v22 =	vld [tilespmem:s2+$0xFFFFFF20]  }
0x1c1: {  	v15 =	vshrl.u32 v15, $0x10;
	v16 =	vmul.f32 v16, v16;
	v17 =	vsub.f32 v17, v21;
	v21 =	vld [tilespmem:s18+$0xFFFFFF30]  }
0x1c2: {  	v23 =	vld [tilespmem:s2+$0xFFFFFF30]  }
0x1c3: {  	v16 =	vshrl.u32 v16, $0x10;
	v17 =	vmul.f32 v17, v17;
	v18 =	vsub.f32 v18, v19;
	v19 =	vld [tilespmem:s18+$0xFFFFFF40]  }
0x1c4: {  	v24 =	vld [tilespmem:s2+$0xFFFFFF40]  }
0x1c5: {  	v17 =	vshrl.u32 v17, $0x10;
	v18 =	vmul.f32 v18, v18;
	v20 =	vsub.f32 v20, v22;
	v22 =	vld [tilespmem:s18+$0xFFFFFF50]  }
0x1c6: {  	v25 =	vld [tilespmem:s2+$0xFFFFFF50]  }
0x1c7: {  	v18 =	vshrl.u32 v18, $0x10;
	v20 =	vmul.f32 v20, v20;
	v21 =	vsub.f32 v21, v23;
	v23 =	vld [tilespmem:s18+$0xFFFFFF60]  }
0x1c8: {  	v26 =	vld [tilespmem:s2+$0xFFFFFF60]  }
0x1c9: {  	v20 =	vshrl.u32 v20, $0x10;
	v21 =	vmul.f32 v21, v21;
	v19 =	vsub.f32 v19, v24;
	v24 =	vld [tilespmem:s18+$0xFFFFFF70]  }
0x1ca: {  	v27 =	vld [tilespmem:s2+$0xFFFFFF70]  }
0x1cb: {  	v21 =	vshrl.u32 v21, $0x10;
	v19 =	vmul.f32 v19, v19;
	v22 =	vsub.f32 v22, v25;
	v25 =	vld [tilespmem:s18+$0xFFFFFF80]  }
0x1cc: {  	v28 =	vld [tilespmem:s2+$0xFFFFFF80]  }
0x1cd: {  	v19 =	vshrl.u32 v19, $0x10;
	v22 =	vmul.f32 v22, v22;
	v23 =	vsub.f32 v23, v26;
	v26 =	vld [tilespmem:s18+$0xFFFFFF90]  }
0x1ce: {  	v29 =	vld [tilespmem:s2+$0xFFFFFF90]  }
0x1cf: {  	v22 =	vshrl.u32 v22, $0x10;
	v23 =	vmul.f32 v23, v23;
	v24 =	vsub.f32 v24, v27;
	v27 =	vld [tilespmem:s18+$0xFFFFFFA0]  }
0x1d0: {  	v30 =	vld [tilespmem:s2+$0xFFFFFFA0]  }
0x1d1: {  	v23 =	vshrl.u32 v23, $0x10;
	v24 =	vmul.f32 v24, v24;
	v25 =	vsub.f32 v25, v28;
	v28 =	vld [tilespmem:s18+$0xFFFFFFB0]  }
0x1d2: {  	v31 =	vld [tilespmem:s2+$0xFFFFFFB0]  }
0x1d3: {  	v24 =	vshrl.u32 v24, $0x10;
	v25 =	vmul.f32 v25, v25;
	v26 =	vsub.f32 v26, v29;
	v29 =	vld [tilespmem:s18+$0xFFFFFFC0]  }
0x1d4: {  	v32 =	vld [tilespmem:s2+$0xFFFFFFC0]  }
0x1d5: {  	v25 =	vshrl.u32 v25, $0x10;
	v26 =	vmul.f32 v26, v26;
	v27 =	vsub.f32 v27, v30;
	v30 =	vld [tilespmem:s18+$0xFFFFFFD0]  }
0x1d6: {  	v33 =	vld [tilespmem:s2+$0xFFFFFFD0]  }
0x1d7: {  	v26 =	vshrl.u32 v26, $0x10;
	v27 =	vmul.f32 v27, v27;
	v28 =	vsub.f32 v28, v31;
	v31 =	vld [tilespmem:s18+$0xFFFFFFE0]  }
0x1d8: {  	v34 =	vld [tilespmem:s2+$0xFFFFFFE0]  }
0x1d9: {  	v27 =	vshrl.u32 v27, $0x10;
	v28 =	vmul.f32 v28, v28;
	v29 =	vsub.f32 v29, v32;
	v32 =	vld [tilespmem:s18+$0xFFFFFFF0]  }
0x1da: {  	v35 =	vld [tilespmem:s2+$0xFFFFFFF0]  }
0x1db: {  	v36 =	vld [tilespmem:s18+$0xFFFFFE10];
	v28 =	vshrl.u32 v28, $0x10;
	v29 =	vmul.f32 v29, v29;
	v30 =	vsub.f32 v30, v33  }
0x1dc: {  	[tilespmem:v3+s25+$0x0] =	vst.idx.add.s32.msk $0xffff, v1  }
0x1dd: {  	[tilespmem:v4+s25+$0x0] =	vst.idx.add.s32.msk $0xffff, v1;
	v3 =	vshrl.u32 v29, $0x10;
	v4 =	vmul.f32 v30, v30;
	v29 =	vsub.f32 v31, v34  }
0x1de: {  	[tilespmem:v5+s25+$0x0] =	vst.idx.add.s32.msk $0xffff, v1  }
0x1df: {  	[tilespmem:v6+s25+$0x0] =	vst.idx.add.s32.msk $0xffff, v1;
	v4 =	vshrl.u32 v4, $0x10;
	v5 =	vmul.f32 v29, v29;
	v6 =	vsub.f32 v32, v35  }
0x1e0: {  	v2 =	vsub.f32 v36, v2;
	[tilespmem:v7+s25+$0x0] =	vst.idx.add.s32.msk $0xffff, v1  }
0x1e1: {  	[tilespmem:v8+s25+$0x0] =	vst.idx.add.s32.msk $0xffff, v1;
	v5 =	vshrl.u32 v5, $0x10;
	v6 =	vmul.f32 v6, v6  }
0x1e2: {  	v2 =	vmul.f32 v2, v2;
	[tilespmem:v9+s25+$0x0] =	vst.idx.add.s32.msk $0xffff, v1  }
0x1e3: {  	[tilespmem:v10+s25+$0x0] =	vst.idx.add.s32.msk $0xffff, v1;
	v6 =	vshrl.u32 v6, $0x10  }
0x1e4: {  	v2 =	vshrl.u32 v2, $0x10;
	[tilespmem:v11+s25+$0x0] =	vst.idx.add.s32.msk $0xffff, v1  }
0x1e5: {  	[tilespmem:v12+s25+$0x0] =	vst.idx.add.s32.msk $0xffff, v1  }
0x1e6: {  	[tilespmem:v13+s25+$0x0] =	vst.idx.add.s32.msk $0xffff, v1  }
0x1e7: {  	[tilespmem:v14+s25+$0x0] =	vst.idx.add.s32.msk $0xffff, v1  }
0x1e8: {  	[tilespmem:v15+s25+$0x0] =	vst.idx.add.s32.msk $0xffff, v1  }
0x1e9: {  	[tilespmem:v2+s25+$0x0] =	vst.idx.add.s32.msk $0xffff, v1  }
0x1ea: {  	[tilespmem:v16+s25+$0x0] =	vst.idx.add.s32.msk $0xffff, v1  }
0x1eb: {  	[tilespmem:v17+s25+$0x0] =	vst.idx.add.s32.msk $0xffff, v1  }
0x1ec: {  	[tilespmem:v18+s25+$0x0] =	vst.idx.add.s32.msk $0xffff, v1  }
0x1ed: {  	[tilespmem:v20+s25+$0x0] =	vst.idx.add.s32.msk $0xffff, v1  }
0x1ee: {  	[tilespmem:v21+s25+$0x0] =	vst.idx.add.s32.msk $0xffff, v1  }
0x1ef: {  	[tilespmem:v19+s25+$0x0] =	vst.idx.add.s32.msk $0xffff, v1  }
0x1f0: {  	[tilespmem:v22+s25+$0x0] =	vst.idx.add.s32.msk $0xffff, v1  }
0x1f1: {  	[tilespmem:v23+s25+$0x0] =	vst.idx.add.s32.msk $0xffff, v1  }
0x1f2: {  	[tilespmem:v24+s25+$0x0] =	vst.idx.add.s32.msk $0xffff, v1  }
0x1f3: {  	[tilespmem:v25+s25+$0x0] =	vst.idx.add.s32.msk $0xffff, v1  }
0x1f4: {  	[tilespmem:v26+s25+$0x0] =	vst.idx.add.s32.msk $0xffff, v1  }
0x1f5: {  	[tilespmem:v27+s25+$0x0] =	vst.idx.add.s32.msk $0xffff, v1  }
.Ltmp4:
0x1f6: {  	[tilespmem:v28+s25+$0x0] =	vst.idx.add.s32.msk $0xffff, v1;
	(pc) =	sbr.rel @p1 .LBB2_7-.Ltmp4, $4  }
0x1f7: {  	[tilespmem:v3+s25+$0x0] =	vst.idx.add.s32.msk $0xffff, v1  }
0x1f8: {  	[tilespmem:v4+s25+$0x0] =	vst.idx.add.s32.msk $0xffff, v1  }
0x1f9: {  	[tilespmem:v5+s25+$0x0] =	vst.idx.add.s32.msk $0xffff, v1  }
0x1fa: {  	s18 =	sadd.s32 $0x200, s18;
	[tilespmem:v6+s25+$0x0] =	vst.idx.add.s32.msk $0xffff, v1  }
0x1fb: {  	s2 =	sshll.u32 s0, $0x7  }
0x1fc: {  	s17 =	sadd.s32 @!p0 s2, s5  }
0x1fd: {  	s17 =	sshll.u32 @!p0 s17, $0x4  }
0x1fe: {  	s18 =	sadd.s32 @!p0 $0xA00, s17  }
0x1ff: {  	s20 =	simm.s32 @!p0 $0x0;
	s21 =	simm.s32 @!p0 $0x1000;
	s19 =	sadd.s32 @!p0 s1, s18  }
0x200: {  	[tilespmem:s21], [sflag:$0x2] =	stream.linear.gather @!p0 [hbm4b:s19+s20], $0x1000, $0x38;
	[tilespmem:$0x18000] =	vst v63  }
0x201: {  	s18 =	sadd.s32 @!p0 s3, s18;
	s19 =	simm.s32 @!p0 $0x5000  }
0x202: {  	[tilespmem:s19], [sflag:$0x2] =	stream.linear.gather @!p0 [hbm4b:s18+s20], $0x1000, $0x38;
	[tilespmem:$0x18000] =	vst v63  }
0x203: {  	_ =	swait.ge [sflag:s28], $0x1000  }
0x204: {  	[sflag:s28] =	ssyncset.done $0x0  }
0x205: {  	[sflag:s28] =	ssyncadd.s32 $0xFFFFF000  }
0x206: {  	_ =	swait.ge [sflag:s28], $0x1000  }
0x207: {  	[sflag:s28] =	ssyncset.done $0x0  }
0x208: {  	s21 =	simm.s32 $0x21F0;
	[sflag:s28] =	ssyncadd.s32 $0xFFFFF000  }
0x209: {  	s18 =	simm.s32 $0x61F0;
	v2 =	vld [tilespmem:s21+$0x0]  }
0x20a: {  	v3 =	vld [tilespmem:s18+$0x0]  }
0x20b: {  	v4 =	vld [tilespmem:s18+$0xFFFFFE10]  }
0x20c: {  	v5 =	vld [tilespmem:s21+$0xFFFFFE20]  }
0x20d: {  	v6 =	vld [tilespmem:s18+$0xFFFFFE20]  }
0x20e: {  	v7 =	vld [tilespmem:s21+$0xFFFFFE30]  }
0x20f: {  	v8 =	vld [tilespmem:s18+$0xFFFFFE30]  }
0x210: {  	v9 =	vld [tilespmem:s18+$0xFFFFFE40]  }
0x211: {  	v10 =	vld [tilespmem:s21+$0xFFFFFE50]  }
0x212: {  	v11 =	vld [tilespmem:s18+$0xFFFFFE50]  }
0x213: {  	v12 =	vld [tilespmem:s21+$0xFFFFFE60]  }
0x214: {  	v13 =	vld [tilespmem:s18+$0xFFFFFE60]  }
0x215: {  	v14 =	vld [tilespmem:s21+$0xFFFFFE70]  }
0x216: {  	v15 =	vld [tilespmem:s18+$0xFFFFFE70]  }
0x217: {  	v16 =	vld [tilespmem:s18+$0xFFFFFE80]  }
0x218: {  	v17 =	vld [tilespmem:s21+$0xFFFFFE90]  }
0x219: {  	v18 =	vld [tilespmem:s18+$0xFFFFFE90]  }
0x21a: {  	v19 =	vld [tilespmem:s21+$0xFFFFFEA0]  }
0x21b: {  	v20 =	vld [tilespmem:s18+$0xFFFFFEA0]  }
0x21c: {  	v21 =	vld [tilespmem:s21+$0xFFFFFEB0]  }
0x21d: {  	v22 =	vld [tilespmem:s18+$0xFFFFFEB0]  }
0x21e: {  	v23 =	vld [tilespmem:s21+$0xFFFFFEC0]  }
0x21f: {  	v24 =	vld [tilespmem:s18+$0xFFFFFEC0]  }
0x220: {  	v25 =	vld [tilespmem:s21+$0xFFFFFED0]  }
0x221: {  	v26 =	vld [tilespmem:s18+$0xFFFFFED0]  }
0x222: {  	v27 =	vld [tilespmem:s21+$0xFFFFFEE0]  }
0x223: {  	v28 =	vld [tilespmem:s18+$0xFFFFFEE0]  }
0x224: {  	v29 =	vld [tilespmem:s21+$0xFFFFFEF0]  }
0x225: {  	v30 =	vld [tilespmem:s18+$0xFFFFFEF0]  }
0x226: {  	v31 =	vld [tilespmem:s21+$0xFFFFFF00]  }
0x227: {  	v32 =	vld [tilespmem:s18+$0xFFFFFF00]  }
0x228: {  	v33 =	vld [tilespmem:s21+$0xFFFFFF10]  }
0x229: {  	v34 =	vld [tilespmem:s18+$0xFFFFFF10]  }
0x22a: {  	v35 =	vld [tilespmem:s21+$0xFFFFFF20]  }
0x22b: {  	v36 =	vld [tilespmem:s21+$0xFFFFFF30]  }
0x22c: {  	v37 =	vld [tilespmem:s21+$0xFFFFFF40]  }
0x22d: {  	v38 =	vld [tilespmem:s21+$0xFFFFFF50]  }
0x22e: {  	v39 =	vld [tilespmem:s21+$0xFFFFFF60]  }
0x22f: {  	v40 =	vld [tilespmem:s18+$0xFFFFFF60]  }
0x230: {  	v50 =	vld [tilespmem:s21+$0xFFFFFE10]  }
0x231: {  	v52 =	vld [tilespmem:s18+$0xFFFFFFB0]  }
0x232: {  	v54 =	vld [tilespmem:s21+$0xFFFFFFC0]  }
0x233: {  	v56 =	vld [tilespmem:s18+$0xFFFFFFC0]  }
0x234: {  	v58 =	vld [tilespmem:s21+$0xFFFFFFD0]  }
0x235: {  	v59 =	vld [tilespmem:s18+$0xFFFFFFD0]  }
0x236: {  	v61 =	vld [tilespmem:s21+$0xFFFFFFE0]  }
0x237: {  	v63 =	vld [tilespmem:s18+$0xFFFFFFE0]  }
0x238: {  	v42 =	vld [tilespmem:s21+$0xFFFFFFF0];
	v2 =	vsub.f32 v2, v3  }
0x239: {  	v3 =	vld [tilespmem:s21+$0xFFFFFE40]  }
0x23a: {  	v5 =	vsub.f32 v5, v6;
	v6 =	vld [tilespmem:s18+$0xFFFFFF20];
	v10 =	vsub.f32 v10, v11;
	v2 =	vmul.f32 v2, v2  }
0x23b: {  	v7 =	vsub.f32 v7, v8;
	v8 =	vld [tilespmem:s18+$0xFFFFFF30];
	v45 =	vsub.f32 v17, v18  }
0x23c: {  	v11 =	vld [tilespmem:s18+$0xFFFFFF50];
	v5 =	vmul.f32 v5, v5;
	v10 =	vmul.f32 v10, v10;
	v2 =	vshrl.u32 v2, $0x10  }
0x23d: {  	v44 =	vsub.f32 v14, v15;
	v15 =	vld [tilespmem:s18+$0xFFFFFF90];
	v7 =	vmul.f32 v7, v7;
	v14 =	vmul.f32 v45, v45  }
0x23e: {  	v5 =	vshrl.u32 v5, $0x10;
	v43 =	vshrl.u32 v10, $0x10;
	v10 =	vld [tilespmem:s21+$0xFFFFFF70]  }
0x23f: {  	v12 =	vsub.f32 v12, v13;
	v7 =	vshrl.u32 v7, $0x10;
	v47 =	vshrl.u32 v14, $0x10;
	v14 =	vld [tilespmem:s21+$0xFFFFFFA0]  }
0x240: {  	v3 =	vsub.f32 v3, v9;
	v9 =	vld [tilespmem:s18+$0xFFFFFF40]  }
0x241: {  	v12 =	vmul.f32 v12, v12;
	[tilespmem:v2+s25+$0x0] =	vst.idx.add.s32.msk $0xffff, v1  }
0x242: {  	v13 =	vmul.f32 v44, v44;
	v2 =	vld [tilespmem:s21+$0xFFFFFE80]  }
0x243: {  	v46 =	vsub.f32 v19, v20;
	v12 =	vshrl.u32 v12, $0x10;
	[tilespmem:v5+s25+$0x0] =	vst.idx.add.s32.msk $0xffff, v1  }
0x244: {  	v13 =	vshrl.u32 v13, $0x10;
	[tilespmem:v7+s25+$0x0] =	vst.idx.add.s32.msk $0xffff, v1  }
0x245: {  	v51 =	vsub.f32 v21, v22;
	v48 =	vmul.f32 v46, v46;
	v7 =	vld [tilespmem:s18+$0xFFFFFF70]  }
0x246: {  	v53 =	vsub.f32 v23, v24;
	[tilespmem:v43+s25+$0x0] =	vst.idx.add.s32.msk $0xffff, v1  }
0x247: {  	v55 =	vsub.f32 v25, v26;
	v17 =	vmul.f32 v51, v51;
	v49 =	vshrl.u32 v48, $0x10;
	v5 =	vld [tilespmem:s18+$0xFFFFFF80]  }
0x248: {  	v57 =	vsub.f32 v27, v28;
	v19 =	vmul.f32 v53, v53;
	[tilespmem:v12+s25+$0x0] =	vst.idx.add.s32.msk $0xffff, v1  }
0x249: {  	v4 =	vsub.f32 v50, v4;
	v21 =	vmul.f32 v55, v55;
	v17 =	vshrl.u32 v17, $0x10;
	[tilespmem:v13+s25+$0x0] =	vst.idx.add.s32.msk $0xffff, v1  }
0x24a: {  	v23 =	vmul.f32 v57, v57;
	v19 =	vshrl.u32 v19, $0x10;
	[tilespmem:v47+s25+$0x0] =	vst.idx.add.s32.msk $0xffff, v1  }
0x24b: {  	v4 =	vmul.f32 v4, v4;
	v21 =	vshrl.u32 v21, $0x10;
	v12 =	vld [tilespmem:s21+$0xFFFFFFB0]  }
0x24c: {  	v60 =	vsub.f32 v29, v30;
	v23 =	vshrl.u32 v23, $0x10;
	v3 =	vmul.f32 v3, v3;
	[tilespmem:v49+s25+$0x0] =	vst.idx.add.s32.msk $0xffff, v1  }
0x24d: {  	v62 =	vsub.f32 v31, v32;
	v4 =	vshrl.u32 v4, $0x10;
	v43 =	vld [tilespmem:s18+$0xFFFFFFF0]  }
0x24e: {  	v41 =	vsub.f32 v33, v34;
	v25 =	vmul.f32 v60, v60;
	v3 =	vshrl.u32 v3, $0x10;
	[tilespmem:v17+s25+$0x0] =	vst.idx.add.s32.msk $0xffff, v1  }
0x24f: {  	v27 =	vmul.f32 v62, v62;
	[tilespmem:v19+s25+$0x0] =	vst.idx.add.s32.msk $0xffff, v1  }
0x250: {  	v29 =	vmul.f32 v41, v41;
	v25 =	vshrl.u32 v25, $0x10;
	[tilespmem:v21+s25+$0x0] =	vst.idx.add.s32.msk $0xffff, v1;
	v2 =	vsub.f32 v2, v16  }
0x251: {  	v44 =	vshrl.u32 v27, $0x10;
	[tilespmem:v23+s25+$0x0] =	vst.idx.add.s32.msk $0xffff, v1  }
0x252: {  	v55 =	vsub.f32 v58, v59;
	v45 =	vshrl.u32 v29, $0x10;
	[tilespmem:v4+s25+$0x0] =	vst.idx.add.s32.msk $0xffff, v1;
	v2 =	vmul.f32 v2, v2  }
0x253: {  	v57 =	vsub.f32 v61, v63;
	v6 =	vsub.f32 v35, v6;
	[tilespmem:v3+s25+$0x0] =	vst.idx.add.s32.msk $0xffff, v1  }
0x254: {  	v59 =	vmul.f32 v55, v55;
	v8 =	vsub.f32 v36, v8;
	v3 =	vld [tilespmem:s21+$0xFFFFFF80];
	v2 =	vshrl.u32 v2, $0x10  }
0x255: {  	v11 =	vsub.f32 v38, v11;
	v6 =	vmul.f32 v6, v6;
	[tilespmem:v25+s25+$0x0] =	vst.idx.add.s32.msk $0xffff, v1  }
0x256: {  	v61 =	vshrl.u32 v59, $0x10;
	v8 =	vmul.f32 v8, v8;
	[tilespmem:v44+s25+$0x0] =	vst.idx.add.s32.msk $0xffff, v1;
	v9 =	vsub.f32 v37, v9  }
0x257: {  	v46 =	vsub.f32 v39, v40;
	v11 =	vmul.f32 v11, v11;
	v6 =	vshrl.u32 v6, $0x10;
	[tilespmem:v45+s25+$0x0] =	vst.idx.add.s32.msk $0xffff, v1  }
0x258: {  	v8 =	vshrl.u32 v8, $0x10;
	v9 =	vmul.f32 v9, v9;
	v16 =	vld [tilespmem:s21+$0xFFFFFF90];
	v7 =	vsub.f32 v10, v7  }
0x259: {  	v48 =	vmul.f32 v46, v46;
	v49 =	vshrl.u32 v11, $0x10;
	v3 =	vsub.f32 v3, v5;
	[tilespmem:v2+s25+$0x0] =	vst.idx.add.s32.msk $0xffff, v1  }
0x25a: {  	v47 =	vshrl.u32 v9, $0x10;
	v51 =	vsub.f32 v12, v52;
	v7 =	vmul.f32 v7, v7;
	v2 =	vld [tilespmem:s18+$0xFFFFFFA0]  }
0x25b: {  	[tilespmem:v61+s25+$0x0] =	vst.idx.add.s32.msk $0xffff, v1;
	v9 =	vshrl.u32 v48, $0x10;
	v52 =	vsub.f32 v54, v56;
	v3 =	vmul.f32 v3, v3  }
0x25c: {  	[tilespmem:v6+s25+$0x0] =	vst.idx.add.s32.msk $0xffff, v1;
	v60 =	vsub.f32 v42, v43;
	v54 =	vmul.f32 v51, v51;
	v7 =	vshrl.u32 v7, $0x10  }
0x25d: {  	[tilespmem:v8+s25+$0x0] =	vst.idx.add.s32.msk $0xffff, v1;
	v56 =	vmul.f32 v52, v52;
	v50 =	vsub.f32 v16, v15;
	v3 =	vshrl.u32 v3, $0x10  }
0x25e: {  	[tilespmem:v49+s25+$0x0] =	vst.idx.add.s32.msk $0xffff, v1;
	v62 =	vmul.f32 v60, v60;
	v58 =	vshrl.u32 v54, $0x10  }
0x25f: {  	v4 =	vshrl.u32 v56, $0x10;
	[tilespmem:v47+s25+$0x0] =	vst.idx.add.s32.msk $0xffff, v1;
	v10 =	vmul.f32 v50, v50;
	v2 =	vsub.f32 v14, v2  }
0x260: {  	v6 =	vmul.f32 v57, v57;
	v63 =	vshrl.u32 v62, $0x10;
	[tilespmem:v9+s25+$0x0] =	vst.idx.add.s32.msk $0xffff, v1  }
0x261: {  	v53 =	vshrl.u32 v10, $0x10;
	[tilespmem:v7+s25+$0x0] =	vst.idx.add.s32.msk $0xffff, v1;
	v2 =	vmul.f32 v2, v2  }
0x262: {  	[tilespmem:v3+s25+$0x0] =	vst.idx.add.s32.msk $0xffff, v1;
	v3 =	vshrl.u32 v6, $0x10  }
0x263: {  	[tilespmem:v58+s25+$0x0] =	vst.idx.add.s32.msk $0xffff, v1;
	v2 =	vshrl.u32 v2, $0x10  }
0x264: {  	[tilespmem:v4+s25+$0x0] =	vst.idx.add.s32.msk $0xffff, v1  }
0x265: {  	[tilespmem:v63+s25+$0x0] =	vst.idx.add.s32.msk $0xffff, v1  }
0x266: {  	[tilespmem:v53+s25+$0x0] =	vst.idx.add.s32.msk $0xffff, v1  }
0x267: {  	[tilespmem:v3+s25+$0x0] =	vst.idx.add.s32.msk $0xffff, v1  }
0x268: {  	s19 =	simm.s32 $0x0;
	s20 =	simm.s32 $0x23F0;
	[tilespmem:v2+s25+$0x0] =	vst.idx.add.s32.msk $0xffff, v1  }
.LBB2_9:
0x269: {  	v3 =	vld [tilespmem:s20+$0x0];
	s18 =	sadd.s32 $0x200, s18  }
0x26a: {  	s19 =	sadd.s32 $0x20, s19;
	v4 =	vld [tilespmem:s18+$0x0]  }
0x26b: {  	p1 =	slt.u32 s19, $0xE0;
	v2 =	vld [tilespmem:s18+$0xFFFFFE10]  }
0x26c: {  	v5 =	vld [tilespmem:s20+$0xFFFFFE20]  }
0x26d: {  	v6 =	vld [tilespmem:s18+$0xFFFFFE20]  }
0x26e: {  	v7 =	vld [tilespmem:s20+$0xFFFFFE30]  }
0x26f: {  	v8 =	vld [tilespmem:s18+$0xFFFFFE30];
	v3 =	vsub.f32 v3, v4  }
0x270: {  	v4 =	vld [tilespmem:s20+$0xFFFFFE40]  }
0x271: {  	v9 =	vld [tilespmem:s18+$0xFFFFFE40];
	v3 =	vmul.f32 v3, v3  }
0x272: {  	v5 =	vsub.f32 v5, v6;
	v6 =	vld [tilespmem:s20+$0xFFFFFE50]  }
0x273: {  	v10 =	vld [tilespmem:s18+$0xFFFFFE50];
	v11 =	vshrl.u32 v3, $0x10  }
0x274: {  	v3 =	vmul.f32 v5, v5;
	v5 =	vsub.f32 v7, v8;
	v7 =	vld [tilespmem:s20+$0xFFFFFE60]  }
0x275: {  	v8 =	vld [tilespmem:s18+$0xFFFFFE60]  }
0x276: {  	v3 =	vshrl.u32 v3, $0x10;
	v5 =	vmul.f32 v5, v5;
	v9 =	vsub.f32 v4, v9;
	v12 =	vld [tilespmem:s20+$0xFFFFFE70]  }
0x277: {  	v13 =	vld [tilespmem:s18+$0xFFFFFE70]  }
0x278: {  	v4 =	vshrl.u32 v5, $0x10;
	v5 =	vmul.f32 v9, v9;
	v6 =	vsub.f32 v6, v10;
	[tilespmem:v11+s25+$0x0] =	vst.idx.add.s32.msk $0xffff, v1  }
0x279: {  	v9 =	vld [tilespmem:s20+$0xFFFFFE80]  }
0x27a: {  	v5 =	vshrl.u32 v5, $0x10;
	v6 =	vmul.f32 v6, v6;
	v7 =	vsub.f32 v7, v8;
	v8 =	vld [tilespmem:s18+$0xFFFFFE80]  }
0x27b: {  	v10 =	vld [tilespmem:s20+$0xFFFFFE90]  }
0x27c: {  	v6 =	vshrl.u32 v6, $0x10;
	v7 =	vmul.f32 v7, v7;
	v11 =	vsub.f32 v12, v13;
	v12 =	vld [tilespmem:s18+$0xFFFFFE90]  }
0x27d: {  	v13 =	vld [tilespmem:s20+$0xFFFFFEA0]  }
0x27e: {  	v7 =	vshrl.u32 v7, $0x10;
	v11 =	vmul.f32 v11, v11;
	v14 =	vld [tilespmem:s18+$0xFFFFFEA0]  }
0x27f: {  	v9 =	vsub.f32 v9, v8;
	v15 =	vld [tilespmem:s20+$0xFFFFFEB0]  }
0x280: {  	v8 =	vshrl.u32 v11, $0x10;
	v11 =	vld [tilespmem:s18+$0xFFFFFEB0]  }
0x281: {  	v9 =	vmul.f32 v9, v9;
	v10 =	vsub.f32 v10, v12;
	v12 =	vld [tilespmem:s20+$0xFFFFFEC0]  }
0x282: {  	v16 =	vld [tilespmem:s18+$0xFFFFFEC0]  }
0x283: {  	v9 =	vshrl.u32 v9, $0x10;
	v10 =	vmul.f32 v10, v10;
	v13 =	vsub.f32 v13, v14;
	v14 =	vld [tilespmem:s20+$0xFFFFFED0]  }
0x284: {  	v17 =	vld [tilespmem:s18+$0xFFFFFED0]  }
0x285: {  	v10 =	vshrl.u32 v10, $0x10;
	v13 =	vmul.f32 v13, v13;
	v15 =	vsub.f32 v15, v11;
	v18 =	vld [tilespmem:s20+$0xFFFFFEE0]  }
0x286: {  	v19 =	vld [tilespmem:s18+$0xFFFFFEE0]  }
0x287: {  	v11 =	vshrl.u32 v13, $0x10;
	v13 =	vmul.f32 v15, v15;
	v15 =	vsub.f32 v12, v16;
	v16 =	vld [tilespmem:s20+$0xFFFFFEF0]  }
0x288: {  	v20 =	vld [tilespmem:s18+$0xFFFFFEF0]  }
0x289: {  	v12 =	vshrl.u32 v13, $0x10;
	v13 =	vmul.f32 v15, v15;
	v14 =	vsub.f32 v14, v17;
	v17 =	vld [tilespmem:s20+$0xFFFFFF00]  }
0x28a: {  	v21 =	vld [tilespmem:s18+$0xFFFFFF00]  }
0x28b: {  	v13 =	vshrl.u32 v13, $0x10;
	v14 =	vmul.f32 v14, v14;
	v15 =	vsub.f32 v18, v19;
	v18 =	vld [tilespmem:s20+$0xFFFFFF10]  }
0x28c: {  	v19 =	vld [tilespmem:s18+$0xFFFFFF10]  }
0x28d: {  	v14 =	vshrl.u32 v14, $0x10;
	v15 =	vmul.f32 v15, v15;
	v16 =	vsub.f32 v16, v20;
	v20 =	vld [tilespmem:s20+$0xFFFFFF20]  }
0x28e: {  	v22 =	vld [tilespmem:s18+$0xFFFFFF20]  }
0x28f: {  	v15 =	vshrl.u32 v15, $0x10;
	v16 =	vmul.f32 v16, v16;
	v17 =	vsub.f32 v17, v21;
	v21 =	vld [tilespmem:s20+$0xFFFFFF30]  }
0x290: {  	v23 =	vld [tilespmem:s18+$0xFFFFFF30]  }
0x291: {  	v16 =	vshrl.u32 v16, $0x10;
	v17 =	vmul.f32 v17, v17;
	v18 =	vsub.f32 v18, v19;
	v19 =	vld [tilespmem:s20+$0xFFFFFF40]  }
0x292: {  	v24 =	vld [tilespmem:s18+$0xFFFFFF40]  }
0x293: {  	v17 =	vshrl.u32 v17, $0x10;
	v18 =	vmul.f32 v18, v18;
	v20 =	vsub.f32 v20, v22;
	v22 =	vld [tilespmem:s20+$0xFFFFFF50]  }
0x294: {  	v25 =	vld [tilespmem:s18+$0xFFFFFF50]  }
0x295: {  	v18 =	vshrl.u32 v18, $0x10;
	v20 =	vmul.f32 v20, v20;
	v21 =	vsub.f32 v21, v23;
	v23 =	vld [tilespmem:s20+$0xFFFFFF60]  }
0x296: {  	v26 =	vld [tilespmem:s18+$0xFFFFFF60]  }
0x297: {  	v20 =	vshrl.u32 v20, $0x10;
	v21 =	vmul.f32 v21, v21;
	v19 =	vsub.f32 v19, v24;
	v24 =	vld [tilespmem:s20+$0xFFFFFF70]  }
0x298: {  	v27 =	vld [tilespmem:s18+$0xFFFFFF70]  }
0x299: {  	v21 =	vshrl.u32 v21, $0x10;
	v19 =	vmul.f32 v19, v19;
	v22 =	vsub.f32 v22, v25;
	v25 =	vld [tilespmem:s20+$0xFFFFFF80]  }
0x29a: {  	v28 =	vld [tilespmem:s18+$0xFFFFFF80]  }
0x29b: {  	v19 =	vshrl.u32 v19, $0x10;
	v22 =	vmul.f32 v22, v22;
	v23 =	vsub.f32 v23, v26;
	v26 =	vld [tilespmem:s20+$0xFFFFFF90]  }
0x29c: {  	v29 =	vld [tilespmem:s18+$0xFFFFFF90]  }
0x29d: {  	v22 =	vshrl.u32 v22, $0x10;
	v23 =	vmul.f32 v23, v23;
	v24 =	vsub.f32 v24, v27;
	v27 =	vld [tilespmem:s20+$0xFFFFFFA0]  }
0x29e: {  	v30 =	vld [tilespmem:s18+$0xFFFFFFA0]  }
0x29f: {  	v23 =	vshrl.u32 v23, $0x10;
	v24 =	vmul.f32 v24, v24;
	v25 =	vsub.f32 v25, v28;
	v28 =	vld [tilespmem:s20+$0xFFFFFFB0]  }
0x2a0: {  	v31 =	vld [tilespmem:s18+$0xFFFFFFB0]  }
0x2a1: {  	v24 =	vshrl.u32 v24, $0x10;
	v25 =	vmul.f32 v25, v25;
	v26 =	vsub.f32 v26, v29;
	v29 =	vld [tilespmem:s20+$0xFFFFFFC0]  }
0x2a2: {  	v32 =	vld [tilespmem:s18+$0xFFFFFFC0]  }
0x2a3: {  	v25 =	vshrl.u32 v25, $0x10;
	v26 =	vmul.f32 v26, v26;
	v27 =	vsub.f32 v27, v30;
	v30 =	vld [tilespmem:s20+$0xFFFFFFD0]  }
0x2a4: {  	v33 =	vld [tilespmem:s18+$0xFFFFFFD0]  }
0x2a5: {  	v26 =	vshrl.u32 v26, $0x10;
	v27 =	vmul.f32 v27, v27;
	v28 =	vsub.f32 v28, v31;
	v31 =	vld [tilespmem:s20+$0xFFFFFFE0]  }
0x2a6: {  	v34 =	vld [tilespmem:s18+$0xFFFFFFE0]  }
0x2a7: {  	v27 =	vshrl.u32 v27, $0x10;
	v28 =	vmul.f32 v28, v28;
	v29 =	vsub.f32 v29, v32;
	v32 =	vld [tilespmem:s20+$0xFFFFFFF0]  }
0x2a8: {  	v35 =	vld [tilespmem:s18+$0xFFFFFFF0]  }
0x2a9: {  	v36 =	vld [tilespmem:s20+$0xFFFFFE10];
	v28 =	vshrl.u32 v28, $0x10;
	v29 =	vmul.f32 v29, v29;
	v30 =	vsub.f32 v30, v33  }
0x2aa: {  	[tilespmem:v3+s25+$0x0] =	vst.idx.add.s32.msk $0xffff, v1  }
0x2ab: {  	[tilespmem:v4+s25+$0x0] =	vst.idx.add.s32.msk $0xffff, v1;
	v3 =	vshrl.u32 v29, $0x10;
	v4 =	vmul.f32 v30, v30;
	v29 =	vsub.f32 v31, v34  }
0x2ac: {  	[tilespmem:v5+s25+$0x0] =	vst.idx.add.s32.msk $0xffff, v1  }
0x2ad: {  	[tilespmem:v6+s25+$0x0] =	vst.idx.add.s32.msk $0xffff, v1;
	v4 =	vshrl.u32 v4, $0x10;
	v5 =	vmul.f32 v29, v29;
	v6 =	vsub.f32 v32, v35  }
0x2ae: {  	v2 =	vsub.f32 v36, v2;
	[tilespmem:v7+s25+$0x0] =	vst.idx.add.s32.msk $0xffff, v1  }
0x2af: {  	[tilespmem:v8+s25+$0x0] =	vst.idx.add.s32.msk $0xffff, v1;
	v5 =	vshrl.u32 v5, $0x10;
	v6 =	vmul.f32 v6, v6  }
0x2b0: {  	v2 =	vmul.f32 v2, v2;
	[tilespmem:v9+s25+$0x0] =	vst.idx.add.s32.msk $0xffff, v1  }
0x2b1: {  	[tilespmem:v10+s25+$0x0] =	vst.idx.add.s32.msk $0xffff, v1;
	v6 =	vshrl.u32 v6, $0x10  }
0x2b2: {  	v2 =	vshrl.u32 v2, $0x10;
	[tilespmem:v11+s25+$0x0] =	vst.idx.add.s32.msk $0xffff, v1  }
0x2b3: {  	[tilespmem:v12+s25+$0x0] =	vst.idx.add.s32.msk $0xffff, v1  }
0x2b4: {  	[tilespmem:v13+s25+$0x0] =	vst.idx.add.s32.msk $0xffff, v1  }
0x2b5: {  	[tilespmem:v14+s25+$0x0] =	vst.idx.add.s32.msk $0xffff, v1  }
0x2b6: {  	[tilespmem:v15+s25+$0x0] =	vst.idx.add.s32.msk $0xffff, v1  }
0x2b7: {  	[tilespmem:v2+s25+$0x0] =	vst.idx.add.s32.msk $0xffff, v1  }
0x2b8: {  	[tilespmem:v16+s25+$0x0] =	vst.idx.add.s32.msk $0xffff, v1  }
0x2b9: {  	[tilespmem:v17+s25+$0x0] =	vst.idx.add.s32.msk $0xffff, v1  }
0x2ba: {  	[tilespmem:v18+s25+$0x0] =	vst.idx.add.s32.msk $0xffff, v1  }
0x2bb: {  	[tilespmem:v20+s25+$0x0] =	vst.idx.add.s32.msk $0xffff, v1  }
0x2bc: {  	[tilespmem:v21+s25+$0x0] =	vst.idx.add.s32.msk $0xffff, v1  }
0x2bd: {  	[tilespmem:v19+s25+$0x0] =	vst.idx.add.s32.msk $0xffff, v1  }
0x2be: {  	[tilespmem:v22+s25+$0x0] =	vst.idx.add.s32.msk $0xffff, v1  }
0x2bf: {  	[tilespmem:v23+s25+$0x0] =	vst.idx.add.s32.msk $0xffff, v1  }
0x2c0: {  	[tilespmem:v24+s25+$0x0] =	vst.idx.add.s32.msk $0xffff, v1  }
0x2c1: {  	[tilespmem:v25+s25+$0x0] =	vst.idx.add.s32.msk $0xffff, v1  }
0x2c2: {  	[tilespmem:v26+s25+$0x0] =	vst.idx.add.s32.msk $0xffff, v1  }
0x2c3: {  	[tilespmem:v27+s25+$0x0] =	vst.idx.add.s32.msk $0xffff, v1  }
.Ltmp5:
0x2c4: {  	[tilespmem:v28+s25+$0x0] =	vst.idx.add.s32.msk $0xffff, v1;
	(pc) =	sbr.rel @p1 .LBB2_9-.Ltmp5, $4  }
0x2c5: {  	[tilespmem:v3+s25+$0x0] =	vst.idx.add.s32.msk $0xffff, v1  }
0x2c6: {  	[tilespmem:v4+s25+$0x0] =	vst.idx.add.s32.msk $0xffff, v1  }
0x2c7: {  	[tilespmem:v5+s25+$0x0] =	vst.idx.add.s32.msk $0xffff, v1  }
0x2c8: {  	s20 =	sadd.s32 $0x200, s20;
	[tilespmem:v6+s25+$0x0] =	vst.idx.add.s32.msk $0xffff, v1  }
0x2c9: {  	s17 =	sadd.s32 @!p0 $0xC00, s17  }
0x2ca: {  	s19 =	simm.s32 @!p0 $0x0;
	s20 =	simm.s32 @!p0 $0x2000;
	s18 =	sadd.s32 @!p0 s1, s17  }
0x2cb: {  	[tilespmem:s20], [sflag:$0x3] =	stream.linear.gather @!p0 [hbm4b:s18+s19], $0x1000, $0x38;
	[tilespmem:$0x18000] =	vst v63  }
0x2cc: {  	s17 =	sadd.s32 @!p0 s3, s17;
	s18 =	simm.s32 @!p0 $0x6000  }
0x2cd: {  	[tilespmem:s18], [sflag:$0x3] =	stream.linear.gather @!p0 [hbm4b:s17+s19], $0x1000, $0x38;
	[tilespmem:$0x18000] =	vst v63  }
0x2ce: {  	_ =	swait.ge [sflag:s29], $0x1000  }
0x2cf: {  	[sflag:s29] =	ssyncset.done $0x0  }
0x2d0: {  	[sflag:s29] =	ssyncadd.s32 $0xFFFFF000  }
0x2d1: {  	_ =	swait.ge [sflag:s29], $0x1000  }
0x2d2: {  	[sflag:s29] =	ssyncset.done $0x0  }
0x2d3: {  	s21 =	simm.s32 $0x31F0;
	[sflag:s29] =	ssyncadd.s32 $0xFFFFF000  }
0x2d4: {  	s17 =	simm.s32 $0x71F0;
	v2 =	vld [tilespmem:s21+$0x0]  }
0x2d5: {  	v3 =	vld [tilespmem:s17+$0x0]  }
0x2d6: {  	v4 =	vld [tilespmem:s17+$0xFFFFFE10]  }
0x2d7: {  	v5 =	vld [tilespmem:s21+$0xFFFFFE20]  }
0x2d8: {  	v6 =	vld [tilespmem:s17+$0xFFFFFE20]  }
0x2d9: {  	v7 =	vld [tilespmem:s21+$0xFFFFFE30]  }
0x2da: {  	v8 =	vld [tilespmem:s17+$0xFFFFFE30]  }
0x2db: {  	v9 =	vld [tilespmem:s17+$0xFFFFFE40]  }
0x2dc: {  	v10 =	vld [tilespmem:s21+$0xFFFFFE50]  }
0x2dd: {  	v11 =	vld [tilespmem:s17+$0xFFFFFE50]  }
0x2de: {  	v12 =	vld [tilespmem:s21+$0xFFFFFE60]  }
0x2df: {  	v13 =	vld [tilespmem:s17+$0xFFFFFE60]  }
0x2e0: {  	v14 =	vld [tilespmem:s21+$0xFFFFFE70]  }
0x2e1: {  	v15 =	vld [tilespmem:s17+$0xFFFFFE70]  }
0x2e2: {  	v16 =	vld [tilespmem:s17+$0xFFFFFE80]  }
0x2e3: {  	v17 =	vld [tilespmem:s21+$0xFFFFFE90]  }
0x2e4: {  	v18 =	vld [tilespmem:s17+$0xFFFFFE90]  }
0x2e5: {  	v19 =	vld [tilespmem:s21+$0xFFFFFEA0]  }
0x2e6: {  	v20 =	vld [tilespmem:s17+$0xFFFFFEA0]  }
0x2e7: {  	v21 =	vld [tilespmem:s21+$0xFFFFFEB0]  }
0x2e8: {  	v22 =	vld [tilespmem:s17+$0xFFFFFEB0]  }
0x2e9: {  	v23 =	vld [tilespmem:s21+$0xFFFFFEC0]  }
0x2ea: {  	v24 =	vld [tilespmem:s17+$0xFFFFFEC0]  }
0x2eb: {  	v25 =	vld [tilespmem:s21+$0xFFFFFED0]  }
0x2ec: {  	v26 =	vld [tilespmem:s17+$0xFFFFFED0]  }
0x2ed: {  	v27 =	vld [tilespmem:s21+$0xFFFFFEE0]  }
0x2ee: {  	v28 =	vld [tilespmem:s17+$0xFFFFFEE0]  }
0x2ef: {  	v29 =	vld [tilespmem:s21+$0xFFFFFEF0]  }
0x2f0: {  	v30 =	vld [tilespmem:s17+$0xFFFFFEF0]  }
0x2f1: {  	v31 =	vld [tilespmem:s21+$0xFFFFFF00]  }
0x2f2: {  	v32 =	vld [tilespmem:s17+$0xFFFFFF00]  }
0x2f3: {  	v33 =	vld [tilespmem:s21+$0xFFFFFF10]  }
0x2f4: {  	v34 =	vld [tilespmem:s17+$0xFFFFFF10]  }
0x2f5: {  	v35 =	vld [tilespmem:s21+$0xFFFFFF20]  }
0x2f6: {  	v36 =	vld [tilespmem:s21+$0xFFFFFF30]  }
0x2f7: {  	v37 =	vld [tilespmem:s21+$0xFFFFFF40]  }
0x2f8: {  	v38 =	vld [tilespmem:s21+$0xFFFFFF50]  }
0x2f9: {  	v39 =	vld [tilespmem:s21+$0xFFFFFF60]  }
0x2fa: {  	v40 =	vld [tilespmem:s17+$0xFFFFFF60]  }
0x2fb: {  	v50 =	vld [tilespmem:s21+$0xFFFFFE10]  }
0x2fc: {  	v52 =	vld [tilespmem:s17+$0xFFFFFFB0]  }
0x2fd: {  	v54 =	vld [tilespmem:s21+$0xFFFFFFC0]  }
0x2fe: {  	v56 =	vld [tilespmem:s17+$0xFFFFFFC0]  }
0x2ff: {  	v58 =	vld [tilespmem:s21+$0xFFFFFFD0]  }
0x300: {  	v59 =	vld [tilespmem:s17+$0xFFFFFFD0]  }
0x301: {  	v61 =	vld [tilespmem:s21+$0xFFFFFFE0]  }
0x302: {  	v63 =	vld [tilespmem:s17+$0xFFFFFFE0]  }
0x303: {  	v42 =	vld [tilespmem:s21+$0xFFFFFFF0];
	v2 =	vsub.f32 v2, v3  }
0x304: {  	v3 =	vld [tilespmem:s21+$0xFFFFFE40]  }
0x305: {  	v5 =	vsub.f32 v5, v6;
	v6 =	vld [tilespmem:s17+$0xFFFFFF20];
	v10 =	vsub.f32 v10, v11;
	v2 =	vmul.f32 v2, v2  }
0x306: {  	v7 =	vsub.f32 v7, v8;
	v8 =	vld [tilespmem:s17+$0xFFFFFF30];
	v45 =	vsub.f32 v17, v18  }
0x307: {  	v11 =	vld [tilespmem:s17+$0xFFFFFF50];
	v5 =	vmul.f32 v5, v5;
	v10 =	vmul.f32 v10, v10;
	v2 =	vshrl.u32 v2, $0x10  }
0x308: {  	v44 =	vsub.f32 v14, v15;
	v15 =	vld [tilespmem:s17+$0xFFFFFF90];
	v7 =	vmul.f32 v7, v7;
	v14 =	vmul.f32 v45, v45  }
0x309: {  	v5 =	vshrl.u32 v5, $0x10;
	v43 =	vshrl.u32 v10, $0x10;
	v10 =	vld [tilespmem:s21+$0xFFFFFF70]  }
0x30a: {  	v12 =	vsub.f32 v12, v13;
	v7 =	vshrl.u32 v7, $0x10;
	v47 =	vshrl.u32 v14, $0x10;
	v14 =	vld [tilespmem:s21+$0xFFFFFFA0]  }
0x30b: {  	v3 =	vsub.f32 v3, v9;
	v9 =	vld [tilespmem:s17+$0xFFFFFF40]  }
0x30c: {  	v12 =	vmul.f32 v12, v12;
	[tilespmem:v2+s25+$0x0] =	vst.idx.add.s32.msk $0xffff, v1  }
0x30d: {  	v13 =	vmul.f32 v44, v44;
	v2 =	vld [tilespmem:s21+$0xFFFFFE80]  }
0x30e: {  	v46 =	vsub.f32 v19, v20;
	v12 =	vshrl.u32 v12, $0x10;
	[tilespmem:v5+s25+$0x0] =	vst.idx.add.s32.msk $0xffff, v1  }
0x30f: {  	v13 =	vshrl.u32 v13, $0x10;
	[tilespmem:v7+s25+$0x0] =	vst.idx.add.s32.msk $0xffff, v1  }
0x310: {  	v51 =	vsub.f32 v21, v22;
	v48 =	vmul.f32 v46, v46;
	v7 =	vld [tilespmem:s17+$0xFFFFFF70]  }
0x311: {  	v53 =	vsub.f32 v23, v24;
	[tilespmem:v43+s25+$0x0] =	vst.idx.add.s32.msk $0xffff, v1  }
0x312: {  	v55 =	vsub.f32 v25, v26;
	v17 =	vmul.f32 v51, v51;
	v49 =	vshrl.u32 v48, $0x10;
	v5 =	vld [tilespmem:s17+$0xFFFFFF80]  }
0x313: {  	v57 =	vsub.f32 v27, v28;
	v19 =	vmul.f32 v53, v53;
	[tilespmem:v12+s25+$0x0] =	vst.idx.add.s32.msk $0xffff, v1  }
0x314: {  	v4 =	vsub.f32 v50, v4;
	v21 =	vmul.f32 v55, v55;
	v17 =	vshrl.u32 v17, $0x10;
	[tilespmem:v13+s25+$0x0] =	vst.idx.add.s32.msk $0xffff, v1  }
0x315: {  	v23 =	vmul.f32 v57, v57;
	v19 =	vshrl.u32 v19, $0x10;
	[tilespmem:v47+s25+$0x0] =	vst.idx.add.s32.msk $0xffff, v1  }
0x316: {  	v4 =	vmul.f32 v4, v4;
	v21 =	vshrl.u32 v21, $0x10;
	v12 =	vld [tilespmem:s21+$0xFFFFFFB0]  }
0x317: {  	v60 =	vsub.f32 v29, v30;
	v23 =	vshrl.u32 v23, $0x10;
	v3 =	vmul.f32 v3, v3;
	[tilespmem:v49+s25+$0x0] =	vst.idx.add.s32.msk $0xffff, v1  }
0x318: {  	v62 =	vsub.f32 v31, v32;
	v4 =	vshrl.u32 v4, $0x10;
	v43 =	vld [tilespmem:s17+$0xFFFFFFF0]  }
0x319: {  	v41 =	vsub.f32 v33, v34;
	v25 =	vmul.f32 v60, v60;
	v3 =	vshrl.u32 v3, $0x10;
	[tilespmem:v17+s25+$0x0] =	vst.idx.add.s32.msk $0xffff, v1  }
0x31a: {  	v27 =	vmul.f32 v62, v62;
	[tilespmem:v19+s25+$0x0] =	vst.idx.add.s32.msk $0xffff, v1  }
0x31b: {  	v29 =	vmul.f32 v41, v41;
	v25 =	vshrl.u32 v25, $0x10;
	[tilespmem:v21+s25+$0x0] =	vst.idx.add.s32.msk $0xffff, v1;
	v2 =	vsub.f32 v2, v16  }
0x31c: {  	v44 =	vshrl.u32 v27, $0x10;
	[tilespmem:v23+s25+$0x0] =	vst.idx.add.s32.msk $0xffff, v1  }
0x31d: {  	v55 =	vsub.f32 v58, v59;
	v45 =	vshrl.u32 v29, $0x10;
	[tilespmem:v4+s25+$0x0] =	vst.idx.add.s32.msk $0xffff, v1;
	v2 =	vmul.f32 v2, v2  }
0x31e: {  	v57 =	vsub.f32 v61, v63;
	v6 =	vsub.f32 v35, v6;
	[tilespmem:v3+s25+$0x0] =	vst.idx.add.s32.msk $0xffff, v1  }
0x31f: {  	v59 =	vmul.f32 v55, v55;
	v8 =	vsub.f32 v36, v8;
	v3 =	vld [tilespmem:s21+$0xFFFFFF80];
	v2 =	vshrl.u32 v2, $0x10  }
0x320: {  	v11 =	vsub.f32 v38, v11;
	v6 =	vmul.f32 v6, v6;
	[tilespmem:v25+s25+$0x0] =	vst.idx.add.s32.msk $0xffff, v1  }
0x321: {  	v61 =	vshrl.u32 v59, $0x10;
	v8 =	vmul.f32 v8, v8;
	[tilespmem:v44+s25+$0x0] =	vst.idx.add.s32.msk $0xffff, v1;
	v9 =	vsub.f32 v37, v9  }
0x322: {  	v46 =	vsub.f32 v39, v40;
	v11 =	vmul.f32 v11, v11;
	v6 =	vshrl.u32 v6, $0x10;
	[tilespmem:v45+s25+$0x0] =	vst.idx.add.s32.msk $0xffff, v1  }
0x323: {  	v8 =	vshrl.u32 v8, $0x10;
	v9 =	vmul.f32 v9, v9;
	v16 =	vld [tilespmem:s21+$0xFFFFFF90];
	v7 =	vsub.f32 v10, v7  }
0x324: {  	v48 =	vmul.f32 v46, v46;
	v49 =	vshrl.u32 v11, $0x10;
	v3 =	vsub.f32 v3, v5;
	[tilespmem:v2+s25+$0x0] =	vst.idx.add.s32.msk $0xffff, v1  }
0x325: {  	v47 =	vshrl.u32 v9, $0x10;
	v51 =	vsub.f32 v12, v52;
	v7 =	vmul.f32 v7, v7;
	v2 =	vld [tilespmem:s17+$0xFFFFFFA0]  }
0x326: {  	[tilespmem:v61+s25+$0x0] =	vst.idx.add.s32.msk $0xffff, v1;
	v9 =	vshrl.u32 v48, $0x10;
	v52 =	vsub.f32 v54, v56;
	v3 =	vmul.f32 v3, v3  }
0x327: {  	[tilespmem:v6+s25+$0x0] =	vst.idx.add.s32.msk $0xffff, v1;
	v60 =	vsub.f32 v42, v43;
	v54 =	vmul.f32 v51, v51;
	v7 =	vshrl.u32 v7, $0x10  }
0x328: {  	[tilespmem:v8+s25+$0x0] =	vst.idx.add.s32.msk $0xffff, v1;
	v56 =	vmul.f32 v52, v52;
	v50 =	vsub.f32 v16, v15;
	v3 =	vshrl.u32 v3, $0x10  }
0x329: {  	[tilespmem:v49+s25+$0x0] =	vst.idx.add.s32.msk $0xffff, v1;
	v62 =	vmul.f32 v60, v60;
	v58 =	vshrl.u32 v54, $0x10  }
0x32a: {  	v4 =	vshrl.u32 v56, $0x10;
	[tilespmem:v47+s25+$0x0] =	vst.idx.add.s32.msk $0xffff, v1;
	v10 =	vmul.f32 v50, v50;
	v2 =	vsub.f32 v14, v2  }
0x32b: {  	v6 =	vmul.f32 v57, v57;
	v63 =	vshrl.u32 v62, $0x10;
	[tilespmem:v9+s25+$0x0] =	vst.idx.add.s32.msk $0xffff, v1  }
0x32c: {  	v53 =	vshrl.u32 v10, $0x10;
	[tilespmem:v7+s25+$0x0] =	vst.idx.add.s32.msk $0xffff, v1;
	v2 =	vmul.f32 v2, v2  }
0x32d: {  	[tilespmem:v3+s25+$0x0] =	vst.idx.add.s32.msk $0xffff, v1;
	v3 =	vshrl.u32 v6, $0x10  }
0x32e: {  	[tilespmem:v58+s25+$0x0] =	vst.idx.add.s32.msk $0xffff, v1;
	v2 =	vshrl.u32 v2, $0x10  }
0x32f: {  	[tilespmem:v4+s25+$0x0] =	vst.idx.add.s32.msk $0xffff, v1  }
0x330: {  	[tilespmem:v63+s25+$0x0] =	vst.idx.add.s32.msk $0xffff, v1  }
0x331: {  	[tilespmem:v53+s25+$0x0] =	vst.idx.add.s32.msk $0xffff, v1  }
0x332: {  	[tilespmem:v3+s25+$0x0] =	vst.idx.add.s32.msk $0xffff, v1  }
0x333: {  	s18 =	simm.s32 $0x0;
	s19 =	simm.s32 $0x33F0;
	[tilespmem:v2+s25+$0x0] =	vst.idx.add.s32.msk $0xffff, v1  }
.LBB2_11:
0x334: {  	v3 =	vld [tilespmem:s19+$0x0];
	s17 =	sadd.s32 $0x200, s17  }
0x335: {  	s18 =	sadd.s32 $0x20, s18;
	v4 =	vld [tilespmem:s17+$0x0]  }
0x336: {  	p1 =	slt.u32 s18, $0xE0;
	v2 =	vld [tilespmem:s17+$0xFFFFFE10]  }
0x337: {  	v5 =	vld [tilespmem:s19+$0xFFFFFE20]  }
0x338: {  	v6 =	vld [tilespmem:s17+$0xFFFFFE20]  }
0x339: {  	v7 =	vld [tilespmem:s19+$0xFFFFFE30]  }
0x33a: {  	v8 =	vld [tilespmem:s17+$0xFFFFFE30];
	v3 =	vsub.f32 v3, v4  }
0x33b: {  	v4 =	vld [tilespmem:s19+$0xFFFFFE40]  }
0x33c: {  	v9 =	vld [tilespmem:s17+$0xFFFFFE40];
	v3 =	vmul.f32 v3, v3  }
0x33d: {  	v5 =	vsub.f32 v5, v6;
	v6 =	vld [tilespmem:s19+$0xFFFFFE50]  }
0x33e: {  	v10 =	vld [tilespmem:s17+$0xFFFFFE50];
	v11 =	vshrl.u32 v3, $0x10  }
0x33f: {  	v3 =	vmul.f32 v5, v5;
	v5 =	vsub.f32 v7, v8;
	v7 =	vld [tilespmem:s19+$0xFFFFFE60]  }
0x340: {  	v8 =	vld [tilespmem:s17+$0xFFFFFE60]  }
0x341: {  	v3 =	vshrl.u32 v3, $0x10;
	v5 =	vmul.f32 v5, v5;
	v9 =	vsub.f32 v4, v9;
	v12 =	vld [tilespmem:s19+$0xFFFFFE70]  }
0x342: {  	v13 =	vld [tilespmem:s17+$0xFFFFFE70]  }
0x343: {  	v4 =	vshrl.u32 v5, $0x10;
	v5 =	vmul.f32 v9, v9;
	v6 =	vsub.f32 v6, v10;
	[tilespmem:v11+s25+$0x0] =	vst.idx.add.s32.msk $0xffff, v1  }
0x344: {  	v9 =	vld [tilespmem:s19+$0xFFFFFE80]  }
0x345: {  	v5 =	vshrl.u32 v5, $0x10;
	v6 =	vmul.f32 v6, v6;
	v7 =	vsub.f32 v7, v8;
	v8 =	vld [tilespmem:s17+$0xFFFFFE80]  }
0x346: {  	v10 =	vld [tilespmem:s19+$0xFFFFFE90]  }
0x347: {  	v6 =	vshrl.u32 v6, $0x10;
	v7 =	vmul.f32 v7, v7;
	v11 =	vsub.f32 v12, v13;
	v12 =	vld [tilespmem:s17+$0xFFFFFE90]  }
0x348: {  	v13 =	vld [tilespmem:s19+$0xFFFFFEA0]  }
0x349: {  	v7 =	vshrl.u32 v7, $0x10;
	v11 =	vmul.f32 v11, v11;
	v14 =	vld [tilespmem:s17+$0xFFFFFEA0]  }
0x34a: {  	v9 =	vsub.f32 v9, v8;
	v15 =	vld [tilespmem:s19+$0xFFFFFEB0]  }
0x34b: {  	v8 =	vshrl.u32 v11, $0x10;
	v11 =	vld [tilespmem:s17+$0xFFFFFEB0]  }
0x34c: {  	v9 =	vmul.f32 v9, v9;
	v10 =	vsub.f32 v10, v12;
	v12 =	vld [tilespmem:s19+$0xFFFFFEC0]  }
0x34d: {  	v16 =	vld [tilespmem:s17+$0xFFFFFEC0]  }
0x34e: {  	v9 =	vshrl.u32 v9, $0x10;
	v10 =	vmul.f32 v10, v10;
	v13 =	vsub.f32 v13, v14;
	v14 =	vld [tilespmem:s19+$0xFFFFFED0]  }
0x34f: {  	v17 =	vld [tilespmem:s17+$0xFFFFFED0]  }
0x350: {  	v10 =	vshrl.u32 v10, $0x10;
	v13 =	vmul.f32 v13, v13;
	v15 =	vsub.f32 v15, v11;
	v18 =	vld [tilespmem:s19+$0xFFFFFEE0]  }
0x351: {  	v19 =	vld [tilespmem:s17+$0xFFFFFEE0]  }
0x352: {  	v11 =	vshrl.u32 v13, $0x10;
	v13 =	vmul.f32 v15, v15;
	v15 =	vsub.f32 v12, v16;
	v16 =	vld [tilespmem:s19+$0xFFFFFEF0]  }
0x353: {  	v20 =	vld [tilespmem:s17+$0xFFFFFEF0]  }
0x354: {  	v12 =	vshrl.u32 v13, $0x10;
	v13 =	vmul.f32 v15, v15;
	v14 =	vsub.f32 v14, v17;
	v17 =	vld [tilespmem:s19+$0xFFFFFF00]  }
0x355: {  	v21 =	vld [tilespmem:s17+$0xFFFFFF00]  }
0x356: {  	v13 =	vshrl.u32 v13, $0x10;
	v14 =	vmul.f32 v14, v14;
	v15 =	vsub.f32 v18, v19;
	v18 =	vld [tilespmem:s19+$0xFFFFFF10]  }
0x357: {  	v19 =	vld [tilespmem:s17+$0xFFFFFF10]  }
0x358: {  	v14 =	vshrl.u32 v14, $0x10;
	v15 =	vmul.f32 v15, v15;
	v16 =	vsub.f32 v16, v20;
	v20 =	vld [tilespmem:s19+$0xFFFFFF20]  }
0x359: {  	v22 =	vld [tilespmem:s17+$0xFFFFFF20]  }
0x35a: {  	v15 =	vshrl.u32 v15, $0x10;
	v16 =	vmul.f32 v16, v16;
	v17 =	vsub.f32 v17, v21;
	v21 =	vld [tilespmem:s19+$0xFFFFFF30]  }
0x35b: {  	v23 =	vld [tilespmem:s17+$0xFFFFFF30]  }
0x35c: {  	v16 =	vshrl.u32 v16, $0x10;
	v17 =	vmul.f32 v17, v17;
	v18 =	vsub.f32 v18, v19;
	v19 =	vld [tilespmem:s19+$0xFFFFFF40]  }
0x35d: {  	v24 =	vld [tilespmem:s17+$0xFFFFFF40]  }
0x35e: {  	v17 =	vshrl.u32 v17, $0x10;
	v18 =	vmul.f32 v18, v18;
	v20 =	vsub.f32 v20, v22;
	v22 =	vld [tilespmem:s19+$0xFFFFFF50]  }
0x35f: {  	v25 =	vld [tilespmem:s17+$0xFFFFFF50]  }
0x360: {  	v18 =	vshrl.u32 v18, $0x10;
	v20 =	vmul.f32 v20, v20;
	v21 =	vsub.f32 v21, v23;
	v23 =	vld [tilespmem:s19+$0xFFFFFF60]  }
0x361: {  	v26 =	vld [tilespmem:s17+$0xFFFFFF60]  }
0x362: {  	v20 =	vshrl.u32 v20, $0x10;
	v21 =	vmul.f32 v21, v21;
	v19 =	vsub.f32 v19, v24;
	v24 =	vld [tilespmem:s19+$0xFFFFFF70]  }
0x363: {  	v27 =	vld [tilespmem:s17+$0xFFFFFF70]  }
0x364: {  	v21 =	vshrl.u32 v21, $0x10;
	v19 =	vmul.f32 v19, v19;
	v22 =	vsub.f32 v22, v25;
	v25 =	vld [tilespmem:s19+$0xFFFFFF80]  }
0x365: {  	v28 =	vld [tilespmem:s17+$0xFFFFFF80]  }
0x366: {  	v19 =	vshrl.u32 v19, $0x10;
	v22 =	vmul.f32 v22, v22;
	v23 =	vsub.f32 v23, v26;
	v26 =	vld [tilespmem:s19+$0xFFFFFF90]  }
0x367: {  	v29 =	vld [tilespmem:s17+$0xFFFFFF90]  }
0x368: {  	v22 =	vshrl.u32 v22, $0x10;
	v23 =	vmul.f32 v23, v23;
	v24 =	vsub.f32 v24, v27;
	v27 =	vld [tilespmem:s19+$0xFFFFFFA0]  }
0x369: {  	v30 =	vld [tilespmem:s17+$0xFFFFFFA0]  }
0x36a: {  	v23 =	vshrl.u32 v23, $0x10;
	v24 =	vmul.f32 v24, v24;
	v25 =	vsub.f32 v25, v28;
	v28 =	vld [tilespmem:s19+$0xFFFFFFB0]  }
0x36b: {  	v31 =	vld [tilespmem:s17+$0xFFFFFFB0]  }
0x36c: {  	v24 =	vshrl.u32 v24, $0x10;
	v25 =	vmul.f32 v25, v25;
	v26 =	vsub.f32 v26, v29;
	v29 =	vld [tilespmem:s19+$0xFFFFFFC0]  }
0x36d: {  	v32 =	vld [tilespmem:s17+$0xFFFFFFC0]  }
0x36e: {  	v25 =	vshrl.u32 v25, $0x10;
	v26 =	vmul.f32 v26, v26;
	v27 =	vsub.f32 v27, v30;
	v30 =	vld [tilespmem:s19+$0xFFFFFFD0]  }
0x36f: {  	v33 =	vld [tilespmem:s17+$0xFFFFFFD0]  }
0x370: {  	v26 =	vshrl.u32 v26, $0x10;
	v27 =	vmul.f32 v27, v27;
	v28 =	vsub.f32 v28, v31;
	v31 =	vld [tilespmem:s19+$0xFFFFFFE0]  }
0x371: {  	v34 =	vld [tilespmem:s17+$0xFFFFFFE0]  }
0x372: {  	v27 =	vshrl.u32 v27, $0x10;
	v28 =	vmul.f32 v28, v28;
	v29 =	vsub.f32 v29, v32;
	v32 =	vld [tilespmem:s19+$0xFFFFFFF0]  }
0x373: {  	v35 =	vld [tilespmem:s17+$0xFFFFFFF0]  }
0x374: {  	v36 =	vld [tilespmem:s19+$0xFFFFFE10];
	v28 =	vshrl.u32 v28, $0x10;
	v29 =	vmul.f32 v29, v29;
	v30 =	vsub.f32 v30, v33  }
0x375: {  	[tilespmem:v3+s25+$0x0] =	vst.idx.add.s32.msk $0xffff, v1  }
0x376: {  	[tilespmem:v4+s25+$0x0] =	vst.idx.add.s32.msk $0xffff, v1;
	v3 =	vshrl.u32 v29, $0x10;
	v4 =	vmul.f32 v30, v30;
	v29 =	vsub.f32 v31, v34  }
0x377: {  	[tilespmem:v5+s25+$0x0] =	vst.idx.add.s32.msk $0xffff, v1  }
0x378: {  	[tilespmem:v6+s25+$0x0] =	vst.idx.add.s32.msk $0xffff, v1;
	v4 =	vshrl.u32 v4, $0x10;
	v5 =	vmul.f32 v29, v29;
	v6 =	vsub.f32 v32, v35  }
0x379: {  	v2 =	vsub.f32 v36, v2;
	[tilespmem:v7+s25+$0x0] =	vst.idx.add.s32.msk $0xffff, v1  }
0x37a: {  	[tilespmem:v8+s25+$0x0] =	vst.idx.add.s32.msk $0xffff, v1;
	v5 =	vshrl.u32 v5, $0x10;
	v6 =	vmul.f32 v6, v6  }
0x37b: {  	v2 =	vmul.f32 v2, v2;
	[tilespmem:v9+s25+$0x0] =	vst.idx.add.s32.msk $0xffff, v1  }
0x37c: {  	[tilespmem:v10+s25+$0x0] =	vst.idx.add.s32.msk $0xffff, v1;
	v6 =	vshrl.u32 v6, $0x10  }
0x37d: {  	v2 =	vshrl.u32 v2, $0x10;
	[tilespmem:v11+s25+$0x0] =	vst.idx.add.s32.msk $0xffff, v1  }
0x37e: {  	[tilespmem:v12+s25+$0x0] =	vst.idx.add.s32.msk $0xffff, v1  }
0x37f: {  	[tilespmem:v13+s25+$0x0] =	vst.idx.add.s32.msk $0xffff, v1  }
0x380: {  	[tilespmem:v14+s25+$0x0] =	vst.idx.add.s32.msk $0xffff, v1  }
0x381: {  	[tilespmem:v15+s25+$0x0] =	vst.idx.add.s32.msk $0xffff, v1  }
0x382: {  	[tilespmem:v2+s25+$0x0] =	vst.idx.add.s32.msk $0xffff, v1  }
0x383: {  	[tilespmem:v16+s25+$0x0] =	vst.idx.add.s32.msk $0xffff, v1  }
0x384: {  	[tilespmem:v17+s25+$0x0] =	vst.idx.add.s32.msk $0xffff, v1  }
0x385: {  	[tilespmem:v18+s25+$0x0] =	vst.idx.add.s32.msk $0xffff, v1  }
0x386: {  	[tilespmem:v20+s25+$0x0] =	vst.idx.add.s32.msk $0xffff, v1  }
0x387: {  	[tilespmem:v21+s25+$0x0] =	vst.idx.add.s32.msk $0xffff, v1  }
0x388: {  	[tilespmem:v19+s25+$0x0] =	vst.idx.add.s32.msk $0xffff, v1  }
0x389: {  	[tilespmem:v22+s25+$0x0] =	vst.idx.add.s32.msk $0xffff, v1  }
0x38a: {  	[tilespmem:v23+s25+$0x0] =	vst.idx.add.s32.msk $0xffff, v1  }
0x38b: {  	[tilespmem:v24+s25+$0x0] =	vst.idx.add.s32.msk $0xffff, v1  }
0x38c: {  	[tilespmem:v25+s25+$0x0] =	vst.idx.add.s32.msk $0xffff, v1  }
0x38d: {  	[tilespmem:v26+s25+$0x0] =	vst.idx.add.s32.msk $0xffff, v1  }
0x38e: {  	[tilespmem:v27+s25+$0x0] =	vst.idx.add.s32.msk $0xffff, v1  }
.Ltmp6:
0x38f: {  	[tilespmem:v28+s25+$0x0] =	vst.idx.add.s32.msk $0xffff, v1;
	(pc) =	sbr.rel @p1 .LBB2_11-.Ltmp6, $4  }
0x390: {  	[tilespmem:v3+s25+$0x0] =	vst.idx.add.s32.msk $0xffff, v1  }
0x391: {  	[tilespmem:v4+s25+$0x0] =	vst.idx.add.s32.msk $0xffff, v1  }
0x392: {  	[tilespmem:v5+s25+$0x0] =	vst.idx.add.s32.msk $0xffff, v1  }
0x393: {  	s19 =	sadd.s32 $0x200, s19;
	[tilespmem:v6+s25+$0x0] =	vst.idx.add.s32.msk $0xffff, v1  }
.Ltmp7:
0x394: {  	(pc) =	sbr.rel @p0 .LBB2_14-.Ltmp7, $1  }
0x395: {  	_ =	sdelay $0x3  }
0x396: {  	s2 =	sadd.s32 s2, s5  }
0x397: {  	s2 =	sshll.u32 s2, $0x4  }
.Ltmp8:
0x398: {  	s2 =	sadd.s32 $0xE00, s2;
	(pc) =	sbr.rel .LBB2_4-.Ltmp8, $4  }
0x399: {  	s17 =	sadd.s32 s1, s2  }
0x39a: {  	[tilespmem:s22], [sflag:$0x4] =	stream.linear.gather [hbm4b:s17+s4], $0x1000, $0x38;
	[tilespmem:$0x18000] =	vst v63  }
0x39b: {  	s0 =	sadd.s32 $0x1, s0;
	s2 =	sadd.s32 s3, s2  }
0x39c: {  	[tilespmem:s23], [sflag:$0x4] =	stream.linear.gather [hbm4b:s2+s4], $0x1000, $0x38;
	[tilespmem:$0x18000] =	vst v63  }
.LBB2_15:
0x39d: {  	_ =	sfence.sel $0x180000  }
0x39e: {  	[bflag:$0x0] =	sbarrier.arrive $0xFFFF  }
0x39f: {  	_ =	strace $0x90000047  }
0x3a0: {  	s0 =	stileid.u32;
	[bflag:$0x2] =	sbarrier.arrive $0xFFFF  }
0x3a1: {  	p0 =	sne.s32 s0, $0x0;
	s0 =	rddreg [dreg:$0x3]  }
0x3a2: {  	s0 =	sadd.s32 @!p0 $0x100000, s0  }
0x3a3: {  	[sflag:s0] =	ssyncadd.tile.s32 @!p0 $0x1;
	_ =	shalt  }
.Lfunc_end2:
_tile_overlayer_lowered:
.L_overlay_start_2:
0x3a4: {  	(tag) =	ssettag $0x2  }
0x3a5: {  	s0 =	rddreg [dreg:$0x0];
	s2 =	stileid.u32  }
0x3a6: {  	s1 =	rddreg [dreg:$0x1];
	p0 =	sne.s32 s2, $0x0  }
0x3a7: {  	s3 =	rddreg [dreg:$0x2];
	[bflag:$0x3] =	sbarrier.arrive $0xFFFF;
	s2 =	simm.s32 @!p0 $0x1C05  }
0x3a8: {  	[timem:s3], [sflag:s2] =	dma.local @!p0 [hbm:s0], s1  }
0x3a9: {  	s0 =	simm.s32 @!p0 $0x5  }
0x3aa: {  	_ =	swait.ge @!p0 [sflag:s0], s1  }
0x3ab: {  	s1 =	ssub.s32 @!p0 $0x0, s1;
	[sflag:s0] =	ssyncset.done @!p0 $0x0  }
0x3ac: {  	[sflag:s0] =	ssyncadd.s32 @!p0 s1  }
0x3ad: {  	[bflag:$0x3] =	sbarrier.arrive $0xFFFF  }
0x3ae: {  	_ =	shalt  }

</sc_bundles>
